<compile_context>
chip_gen: v7x
topology: tpu7x:2x2x1
jax: 0.10.2.dev20260603
libtpu: 0.0.44.dev20260713+nightly
codegen_flags: <defaults>
</compile_context>

<pallas_src>
import jax
import jax.numpy as jnp
from jax.experimental import pallas as pl

_CONF = 0.25
_IOU = 0.45
_MAX_DET = 300
_NC = 80
_IMGSZ = 640.0
_K = 1500
_KPAD = 1536
_ROWT = 128
_TN = 2048


def _score_cls_kernel(scores_ref, smax_ref, cls_ref):
    s = scores_ref[0]
    m = jnp.max(s, axis=0)
    a = jnp.argmax(s, axis=0)
    smax_ref[0, 0, 0] = jnp.where(m > _CONF, m, 0.0)
    cls_ref[0, 0, 0] = a.astype(jnp.float32)


def _suppress_kernel(ts_ref, x1c_ref, y1c_ref, x2c_ref, y2c_ref,
                     x1r_ref, y1r_ref, x2r_ref, y2r_ref, out_ref):
    ax1 = x1r_ref[0]
    ay1 = y1r_ref[0]
    ax2 = x2r_ref[0]
    ay2 = y2r_ref[0]
    aarea = (ax2 - ax1) * (ay2 - ay1)
    row_id = jax.lax.broadcasted_iota(jnp.int32, (_KPAD, 1), 0)
    ts = ts_ref[0]
    nct = _KPAD // _ROWT
    for ct in range(nct):
        c0, c1 = ct * _ROWT, (ct + 1) * _ROWT
        cx1 = x1c_ref[0][:, c0:c1]
        cy1 = y1c_ref[0][:, c0:c1]
        cx2 = x2c_ref[0][:, c0:c1]
        cy2 = y2c_ref[0][:, c0:c1]
        carea = (cx2 - cx1) * (cy2 - cy1)
        rx1, ry1 = ax1[:c1], ay1[:c1]
        rx2, ry2 = ax2[:c1], ay2[:c1]
        ix1 = jnp.maximum(rx1, cx1)
        iy1 = jnp.maximum(ry1, cy1)
        ix2 = jnp.minimum(rx2, cx2)
        iy2 = jnp.minimum(ry2, cy2)
        w = jnp.maximum(ix2 - ix1, 0.0)
        h = jnp.maximum(iy2 - iy1, 0.0)
        inter = w * h
        union = aarea[:c1] + carea - inter
        iou = inter / (union + 1e-7)
        col_id = c0 + jax.lax.broadcasted_iota(jnp.int32, (1, _ROWT), 1)
        masked = jnp.where(row_id[:c1] < col_id, iou, 0.0)
        colmax = jnp.max(masked, axis=0, keepdims=True)
        tsc = ts[:, c0:c1]
        keep = (colmax < _IOU) & (tsc > _CONF)
        out_ref[0, :, c0:c1] = jnp.where(keep, tsc, -1.0)


def kernel(boxes, scores):
    B, N, C = scores.shape

    npad = -N % _TN
    st = jnp.transpose(scores, (0, 2, 1))
    st = jnp.pad(st, ((0, 0), (0, 0), (0, npad)), constant_values=-1.0)
    npb = st.shape[2]
    nb = npb // _TN
    ospec = pl.BlockSpec((1, 1, 1, _TN), lambda b, n: (b, n, 0, 0))
    smax, clsf = pl.pallas_call(
        _score_cls_kernel,
        grid=(B, nb),
        in_specs=[pl.BlockSpec((1, C, _TN), lambda b, n: (b, 0, n))],
        out_specs=[ospec, ospec],
        out_shape=[jax.ShapeDtypeStruct((B, nb, 1, _TN), jnp.float32),
                   jax.ShapeDtypeStruct((B, nb, 1, _TN), jnp.float32)],
    )(st)
    smax = smax.reshape(B, npb)
    clsf = clsf.reshape(B, npb)

    top_scores, top_idx = jax.lax.top_k(smax, _K)
    box = jnp.take_along_axis(boxes, top_idx[..., None], axis=1)
    c = jnp.take_along_axis(clsf, top_idx, axis=1)

    mult = 1.0 / _NC
    nms = mult * (box / _IMGSZ) + c[..., None] * mult

    pad = _KPAD - _K
    ts_p = jnp.pad(top_scores, ((0, 0), (0, pad)), constant_values=-1.0)
    nms_p = jnp.pad(nms, ((0, 0), (0, pad), (0, 0)))
    cols = [nms_p[:, None, :, i] for i in range(4)]
    rows = [nms_p[:, :, i][..., None] for i in range(4)]

    spec2 = pl.BlockSpec((1, 1, _KPAD), lambda b: (b, 0, 0))
    spec3 = pl.BlockSpec((1, _KPAD, 1), lambda b: (b, 0, 0))
    kept = pl.pallas_call(
        _suppress_kernel,
        grid=(B,),
        in_specs=[spec2, spec2, spec2, spec2, spec2,
                  spec3, spec3, spec3, spec3],
        out_specs=spec2,
        out_shape=jax.ShapeDtypeStruct((B, 1, _KPAD), jnp.float32),
    )(ts_p[:, None, :], *cols, *rows)

    kept = kept[:, 0, :_K]
    final_scores, final_idx = jax.lax.top_k(kept, _MAX_DET)
    valid = (final_scores > 0.0).astype(boxes.dtype)[..., None]
    fb = jnp.take_along_axis(box, final_idx[..., None], axis=1)
    fs = jnp.take_along_axis(top_scores, final_idx, axis=1)[..., None]
    fc = jnp.take_along_axis(c, final_idx, axis=1)[..., None]
    return jnp.concatenate([fb, fs, fc], axis=-1) * valid

# --- scband reference (transcript-rebuilt; emitter-appended) ---
"""Pipeline reference for scband-nmsmodel-687194767746 (READ-ONLY COPY).

The authoritative reference and input builder live on the scoring server;
editing this copy changes nothing except your own understanding.
"""

import jax, jax.numpy as jnp
import numpy as np

CONF = 0.25
IOU = 0.45
MAX_DET = 300
NUM_CLASSES = 80
IMGSZ = 640.0
B, N = 4, 20000


def setup_inputs(seed: int = 0) -> dict:
    key = jax.random.key(seed)
    k1, k2, k3 = jax.random.split(key, 3)
    # Build valid xyxy boxes inside a 640x640 image
    x1y1 = jax.random.uniform(k1, (B, N, 2), dtype=jnp.float32) * (IMGSZ - 64.0)
    wh = 4.0 + jax.random.uniform(k2, (B, N, 2), dtype=jnp.float32) * 60.0
    boxes = jnp.concatenate([x1y1, x1y1 + wh], axis=-1)
    scores = jax.random.uniform(k3, (B, N, NUM_CLASSES), dtype=jnp.float32)
    return {"boxes": boxes, "scores": scores}


def _box_iou(b1, b2):
    # b1, b2: [M, 4] xyxy -> [M, M]
    area1 = (b1[:, 2] - b1[:, 0]) * (b1[:, 3] - b1[:, 1])
    area2 = (b2[:, 2] - b2[:, 0]) * (b2[:, 3] - b2[:, 1])
    lt = jnp.maximum(b1[:, None, :2], b2[None, :, :2])
    rb = jnp.minimum(b1[:, None, 2:], b2[None, :, 2:])
    wh = jnp.clip(rb - lt, 0.0)
    inter = wh[..., 0] * wh[..., 1]
    union = area1[:, None] + area2[None, :] - inter
    return inter / (union + 1e-7)


def _nms_single(boxes_i, scores_i):
    # boxes_i: [N, 4], scores_i: [N, C]
    score = scores_i.max(axis=-1)
    cls = jnp.argmax(scores_i, axis=-1).astype(boxes_i.dtype)
    # conf filter (static-shape variant: zero-out + topk, like the is_tf branch)
    score = score * (score > CONF)
    k = min(MAX_DET * 5, boxes_i.shape[0])
    top_scores, top_idx = jax.lax.top_k(score, k)
    box = boxes_i[top_idx]
    c = cls[top_idx]
    # class-offset NMS boxes (non-agnostic, detect task: end=4)
    multiplier = 1.0 / max(NUM_CLASSES, 1)
    nmsbox = multiplier * (box / IMGSZ)
    nmsbox = nmsbox + c[:, None] * multiplier
    # fast NMS: candidates are score-sorted (top_k output); suppress by higher-scoring overlaps
    ious = _box_iou(nmsbox, nmsbox)
    upper = jnp.triu(ious, k=1)
    max_iou = upper.max(axis=0)
    keep = (max_iou < IOU) & (top_scores > CONF)
    kept_scores = jnp.where(keep, top_scores, -1.0)
    final_scores, final_idx = jax.lax.top_k(kept_scores, MAX_DET)
    valid = (final_scores > 0.0).astype(boxes_i.dtype)[:, None]
    fb = box[final_idx]
    fs = top_scores[final_idx][:, None]
    fc = c[final_idx][:, None]
    dets = jnp.concatenate([fb, fs, fc], axis=-1) * valid  # pad invalid rows with zeros
    return dets  # [MAX_DET, 6]


def reference(boxes, scores):
    return jax.vmap(_nms_single)(boxes, scores)  # [B, MAX_DET, 6]

if __name__ == "__main__":
    import jax
    _d = setup_inputs()
    print(jax.jit(kernel)(*tuple(_d.values())))

</pallas_src>

<mosaic_0001>
module attributes {stable_mosaic.version = 14 : i64} {
  func.func @_score_cls_kernel(%arg0: i32, %arg1: i32, %arg2: memref<1x80x2048xf32, #tpu.memory_space<vmem>>, %arg3: memref<1x1x1x2048xf32, #tpu.memory_space<vmem>>, %arg4: memref<1x1x1x2048xf32, #tpu.memory_space<vmem>>) attributes {dimension_semantics = [#tpu.dimension_semantics<arbitrary>, #tpu.dimension_semantics<arbitrary>], iteration_bounds = array<i64: 4, 10>, scalar_prefetch = 0 : i64, scratch_operands = 0 : i64, tpu.core_type = #tpu.core_type<tc>, window_params = [{transform_indices = @transform_0, window_bounds = array<i64: 1, 80, 2048>}, {transform_indices = @transform_1, window_bounds = array<i64: 1, 1, 1, 2048>}, {transform_indices = @transform_2, window_bounds = array<i64: 1, 1, 1, 2048>}]} {
    %get3A = arith.constant 0 : index
    %get3A_0 = arith.constant 0 : index
    %get3A_1 = arith.constant 0 : index
    %get3A_2 = vector.load %arg2[%get3A, %get3A_0, %get3A_1] : memref<1x80x2048xf32, #tpu.memory_space<vmem>>, vector<1x80x2048xf32>
    %get3A_3 = vector.shape_cast %get3A_2 : vector<1x80x2048xf32> to vector<80x2048xf32>
    %reduce_max3A = arith.constant dense<0xFF800000> : vector<2048xf32>
    %reduce_max3A_4 = vector.multi_reduction <maximumf>, %get3A_3, %reduce_max3A [0] : vector<80x2048xf32> to vector<2048xf32>
    %argmax3A = tpu.reduce_index %get3A_3 {axis = 0 : i32, kind = #tpu.reduction_kind<arg_max>} : vector<80x2048xf32> -> vector<2048xi32>
    %gt3A = arith.constant 2.500000e-01 : f32
    %gt3A_5 = vector.broadcast %gt3A : f32 to vector<2048xf32>
    %gt3A_6 = arith.cmpf ogt, %reduce_max3A_4, %gt3A_5 : vector<2048xf32>
    %jit3A = arith.constant 0.000000e+00 : f32
    %broadcast_in_dim3A = vector.broadcast %jit3A : f32 to vector<2048xf32>
    %select_n3A = arith.select %gt3A_6, %reduce_max3A_4, %broadcast_in_dim3A : vector<2048xi1>, vector<2048xf32>
    %swap3A = arith.constant 0 : index
    %swap3A_7 = arith.constant 0 : index
    %swap3A_8 = arith.constant 0 : index
    %swap3A_9 = arith.constant 0 : index
    %swap3A_10 = vector.load %arg3[%swap3A, %swap3A_7, %swap3A_8, %swap3A_9] : memref<1x1x1x2048xf32, #tpu.memory_space<vmem>>, vector<1x1x1x2048xf32>
    %swap3A_11 = vector.shape_cast %swap3A_10 : vector<1x1x1x2048xf32> to vector<2048xf32>
    %swap3A_12 = vector.shape_cast %select_n3A : vector<2048xf32> to vector<1x1x1x2048xf32>
    tpu.vector_store %arg3[%swap3A, %swap3A_7, %swap3A_8, %swap3A_9], %swap3A_12 {strides = array<i32>} : memref<1x1x1x2048xf32, #tpu.memory_space<vmem>>, vector<1x1x1x2048xf32>,
    %convert_element_type3A = arith.sitofp %argmax3A : vector<2048xi32> to vector<2048xf32>
    %swap3A_13 = arith.constant 0 : index
    %swap3A_14 = arith.constant 0 : index
    %swap3A_15 = arith.constant 0 : index
    %swap3A_16 = arith.constant 0 : index
    %swap3A_17 = vector.load %arg4[%swap3A_13, %swap3A_14, %swap3A_15, %swap3A_16] : memref<1x1x1x2048xf32, #tpu.memory_space<vmem>>, vector<1x1x1x2048xf32>
    %swap3A_18 = vector.shape_cast %swap3A_17 : vector<1x1x1x2048xf32> to vector<2048xf32>
    %swap3A_19 = vector.shape_cast %convert_element_type3A : vector<2048xf32> to vector<1x1x1x2048xf32>
    tpu.vector_store %arg4[%swap3A_13, %swap3A_14, %swap3A_15, %swap3A_16], %swap3A_19 {strides = array<i32>} : memref<1x1x1x2048xf32, #tpu.memory_space<vmem>>, vector<1x1x1x2048xf32>,
    return
  }
  func.func @transform_0(%arg0: i32, %arg1: i32) -> (i32, i32, i32) {
    %c0_i32 = arith.constant 0 : i32
    %c0_i32_0 = arith.constant 0 : i32
    return %arg0, %c0_i32, %arg1 : i32, i32, i32
  }
  func.func @transform_1(%arg0: i32, %arg1: i32) -> (i32, i32, i32, i32) {
    %c0_i32 = arith.constant 0 : i32
    %c0_i32_0 = arith.constant 0 : i32
    %c0_i32_1 = arith.constant 0 : i32
    return %arg0, %arg1, %c0_i32, %c0_i32_0 : i32, i32, i32, i32
  }
  func.func @transform_2(%arg0: i32, %arg1: i32) -> (i32, i32, i32, i32) {
    %c0_i32 = arith.constant 0 : i32
    %c0_i32_0 = arith.constant 0 : i32
    %c0_i32_1 = arith.constant 0 : i32
    return %arg0, %arg1, %c0_i32, %c0_i32_0 : i32, i32, i32, i32
  }
}

module attributes {stable_mosaic.version = 14 : i64} {
  func.func @_suppress_kernel(%arg0: i32, %arg1: memref<1x1x1536xf32, #tpu.memory_space<vmem>>, %arg2: memref<1x1x1536xf32, #tpu.memory_space<vmem>>, %arg3: memref<1x1x1536xf32, #tpu.memory_space<vmem>>, %arg4: memref<1x1x1536xf32, #tpu.memory_space<vmem>>, %arg5: memref<1x1x1536xf32, #tpu.memory_space<vmem>>, %arg6: memref<1x1536x1xf32, #tpu.memory_space<vmem>>, %arg7: memref<1x1536x1xf32, #tpu.memory_space<vmem>>, %arg8: memref<1x1536x1xf32, #tpu.memory_space<vmem>>, %arg9: memref<1x1536x1xf32, #tpu.memory_space<vmem>>, %arg10: memref<1x1x1536xf32, #tpu.memory_space<vmem>>) attributes {dimension_semantics = [#tpu.dimension_semantics<arbitrary>], iteration_bounds = array<i64: 4>, scalar_prefetch = 0 : i64, scratch_operands = 0 : i64, tpu.core_type = #tpu.core_type<tc>, window_params = [{transform_indices = @transform_0, window_bounds = array<i64: 1, 1, 1536>}, {transform_indices = @transform_1, window_bounds = array<i64: 1, 1, 1536>}, {transform_indices = @transform_2, window_bounds = array<i64: 1, 1, 1536>}, {transform_indices = @transform_3, window_bounds = array<i64: 1, 1, 1536>}, {transform_indices = @transform_4, window_bounds = array<i64: 1, 1, 1536>}, {transform_indices = @transform_5, window_bounds = array<i64: 1, 1536, 1>}, {transform_indices = @transform_6, window_bounds = array<i64: 1, 1536, 1>}, {transform_indices = @transform_7, window_bounds = array<i64: 1, 1536, 1>}, {transform_indices = @transform_8, window_bounds = array<i64: 1, 1536, 1>}, {transform_indices = @transform_9, window_bounds = array<i64: 1, 1, 1536>}]} {
    %get3A = arith.constant 0 : index
    %get3A_0 = arith.constant 0 : index
    %get3A_1 = arith.constant 0 : index
    %get3A_2 = vector.load %arg6[%get3A, %get3A_0, %get3A_1] : memref<1x1536x1xf32, #tpu.memory_space<vmem>>, vector<1x1536x1xf32>
    %get3A_3 = vector.shape_cast %get3A_2 : vector<1x1536x1xf32> to vector<1536x1xf32>
    %get3A_4 = arith.constant 0 : index
    %get3A_5 = arith.constant 0 : index
    %get3A_6 = arith.constant 0 : index
    %get3A_7 = vector.load %arg7[%get3A_4, %get3A_5, %get3A_6] : memref<1x1536x1xf32, #tpu.memory_space<vmem>>, vector<1x1536x1xf32>
    %get3A_8 = vector.shape_cast %get3A_7 : vector<1x1536x1xf32> to vector<1536x1xf32>
    %get3A_9 = arith.constant 0 : index
    %get3A_10 = arith.constant 0 : index
    %get3A_11 = arith.constant 0 : index
    %get3A_12 = vector.load %arg8[%get3A_9, %get3A_10, %get3A_11] : memref<1x1536x1xf32, #tpu.memory_space<vmem>>, vector<1x1536x1xf32>
    %get3A_13 = vector.shape_cast %get3A_12 : vector<1x1536x1xf32> to vector<1536x1xf32>
    %get3A_14 = arith.constant 0 : index
    %get3A_15 = arith.constant 0 : index
    %get3A_16 = arith.constant 0 : index
    %get3A_17 = vector.load %arg9[%get3A_14, %get3A_15, %get3A_16] : memref<1x1536x1xf32, #tpu.memory_space<vmem>>, vector<1x1536x1xf32>
    %get3A_18 = vector.shape_cast %get3A_17 : vector<1x1536x1xf32> to vector<1536x1xf32>
    %sub3A = arith.subf %get3A_13, %get3A_3 : vector<1536x1xf32>
    %sub3A_19 = arith.subf %get3A_18, %get3A_8 : vector<1536x1xf32>
    %mul3A = arith.mulf %sub3A, %sub3A_19 : vector<1536x1xf32>
    %iota3A = tpu.iota {dimensions = array<i32: 0>} : vector<1536x1xi32>
    %get3A_20 = arith.constant 0 : index
    %get3A_21 = arith.constant 0 : index
    %get3A_22 = arith.constant 0 : index
    %get3A_23 = vector.load %arg1[%get3A_20, %get3A_21, %get3A_22] : memref<1x1x1536xf32, #tpu.memory_space<vmem>>, vector<1x1x1536xf32>
    %get3A_24 = vector.shape_cast %get3A_23 : vector<1x1x1536xf32> to vector<1x1536xf32>
    %get3A_25 = arith.constant 0 : index
    %get3A_26 = arith.constant 0 : index
    %get3A_27 = arith.constant 0 : index
    %get3A_28 = vector.load %arg2[%get3A_25, %get3A_26, %get3A_27] : memref<1x1x1536xf32, #tpu.memory_space<vmem>>, vector<1x1x1536xf32>
    %get3A_29 = vector.shape_cast %get3A_28 : vector<1x1x1536xf32> to vector<1x1536xf32>
    %slice3A = vector.extract_strided_slice %get3A_29 {offsets = [0, 0], sizes = [1, 128], strides = [1, 1]} : vector<1x1536xf32> to vector<1x128xf32>
    %get3A_30 = arith.constant 0 : index
    %get3A_31 = arith.constant 0 : index
    %get3A_32 = arith.constant 0 : index
    %get3A_33 = vector.load %arg3[%get3A_30, %get3A_31, %get3A_32] : memref<1x1x1536xf32, #tpu.memory_space<vmem>>, vector<1x1x1536xf32>
    %get3A_34 = vector.shape_cast %get3A_33 : vector<1x1x1536xf32> to vector<1x1536xf32>
    %slice3A_35 = vector.extract_strided_slice %get3A_34 {offsets = [0, 0], sizes = [1, 128], strides = [1, 1]} : vector<1x1536xf32> to vector<1x128xf32>
    %get3A_36 = arith.constant 0 : index
    %get3A_37 = arith.constant 0 : index
    %get3A_38 = arith.constant 0 : index
    %get3A_39 = vector.load %arg4[%get3A_36, %get3A_37, %get3A_38] : memref<1x1x1536xf32, #tpu.memory_space<vmem>>, vector<1x1x1536xf32>
    %get3A_40 = vector.shape_cast %get3A_39 : vector<1x1x1536xf32> to vector<1x1536xf32>
    %slice3A_41 = vector.extract_strided_slice %get3A_40 {offsets = [0, 0], sizes = [1, 128], strides = [1, 1]} : vector<1x1536xf32> to vector<1x128xf32>
    %get3A_42 = arith.constant 0 : index
    %get3A_43 = arith.constant 0 : index
    %get3A_44 = arith.constant 0 : index
    %get3A_45 = vector.load %arg5[%get3A_42, %get3A_43, %get3A_44] : memref<1x1x1536xf32, #tpu.memory_space<vmem>>, vector<1x1x1536xf32>
    %get3A_46 = vector.shape_cast %get3A_45 : vector<1x1x1536xf32> to vector<1x1536xf32>
    %slice3A_47 = vector.extract_strided_slice %get3A_46 {offsets = [0, 0], sizes = [1, 128], strides = [1, 1]} : vector<1x1536xf32> to vector<1x128xf32>
    %sub3A_48 = arith.subf %slice3A_41, %slice3A : vector<1x128xf32>
    %sub3A_49 = arith.subf %slice3A_47, %slice3A_35 : vector<1x128xf32>
    %mul3A_50 = arith.mulf %sub3A_48, %sub3A_49 : vector<1x128xf32>
    %slice3A_51 = vector.extract_strided_slice %get3A_3 {offsets = [0, 0], sizes = [128, 1], strides = [1, 1]} : vector<1536x1xf32> to vector<128x1xf32>
    %slice3A_52 = vector.extract_strided_slice %get3A_8 {offsets = [0, 0], sizes = [128, 1], strides = [1, 1]} : vector<1536x1xf32> to vector<128x1xf32>
    %slice3A_53 = vector.extract_strided_slice %get3A_13 {offsets = [0, 0], sizes = [128, 1], strides = [1, 1]} : vector<1536x1xf32> to vector<128x1xf32>
    %slice3A_54 = vector.extract_strided_slice %get3A_18 {offsets = [0, 0], sizes = [128, 1], strides = [1, 1]} : vector<1536x1xf32> to vector<128x1xf32>
    %max3A = vector.broadcast %slice3A_51 : vector<128x1xf32> to vector<128x128xf32>
    %max3A_55 = vector.broadcast %slice3A : vector<1x128xf32> to vector<128x128xf32>
    %max3A_56 = arith.maximumf %max3A, %max3A_55 : vector<128x128xf32>
    %max3A_57 = vector.broadcast %slice3A_52 : vector<128x1xf32> to vector<128x128xf32>
    %max3A_58 = vector.broadcast %slice3A_35 : vector<1x128xf32> to vector<128x128xf32>
    %max3A_59 = arith.maximumf %max3A_57, %max3A_58 : vector<128x128xf32>
    %min3A = vector.broadcast %slice3A_53 : vector<128x1xf32> to vector<128x128xf32>
    %min3A_60 = vector.broadcast %slice3A_41 : vector<1x128xf32> to vector<128x128xf32>
    %min3A_61 = arith.minimumf %min3A, %min3A_60 : vector<128x128xf32>
    %min3A_62 = vector.broadcast %slice3A_54 : vector<128x1xf32> to vector<128x128xf32>
    %min3A_63 = vector.broadcast %slice3A_47 : vector<1x128xf32> to vector<128x128xf32>
    %min3A_64 = arith.minimumf %min3A_62, %min3A_63 : vector<128x128xf32>
    %sub3A_65 = arith.subf %min3A_61, %max3A_56 : vector<128x128xf32>
    %max3A_66 = arith.constant 0.000000e+00 : f32
    %max3A_67 = vector.broadcast %max3A_66 : f32 to vector<128x128xf32>
    %max3A_68 = arith.maximumf %sub3A_65, %max3A_67 : vector<128x128xf32>
    %sub3A_69 = arith.subf %min3A_64, %max3A_59 : vector<128x128xf32>
    %max3A_70 = arith.constant 0.000000e+00 : f32
    %max3A_71 = vector.broadcast %max3A_70 : f32 to vector<128x128xf32>
    %max3A_72 = arith.maximumf %sub3A_69, %max3A_71 : vector<128x128xf32>
    %mul3A_73 = arith.mulf %max3A_68, %max3A_72 : vector<128x128xf32>
    %slice3A_74 = vector.extract_strided_slice %mul3A {offsets = [0, 0], sizes = [128, 1], strides = [1, 1]} : vector<1536x1xf32> to vector<128x1xf32>
    %add3A = vector.broadcast %slice3A_74 : vector<128x1xf32> to vector<128x128xf32>
    %add3A_75 = vector.broadcast %mul3A_50 : vector<1x128xf32> to vector<128x128xf32>
    %add3A_76 = arith.addf %add3A, %add3A_75 : vector<128x128xf32>
    %sub3A_77 = arith.subf %add3A_76, %mul3A_73 : vector<128x128xf32>
    %add3A_78 = arith.constant 1.000000e-07 : f32
    %add3A_79 = vector.broadcast %add3A_78 : f32 to vector<128x128xf32>
    %add3A_80 = arith.addf %sub3A_77, %add3A_79 : vector<128x128xf32>
    %div3A = arith.divf %mul3A_73, %add3A_80 : vector<128x128xf32>
    %iota3A_81 = tpu.iota {dimensions = array<i32: 1>} : vector<1x128xi32>
    %add3A_82 = arith.constant 0 : i32
    %add3A_83 = vector.broadcast %add3A_82 : i32 to vector<1x128xi32>
    %add3A_84 = arith.addi %add3A_83, %iota3A_81 : vector<1x128xi32>
    %slice3A_85 = vector.extract_strided_slice %iota3A {offsets = [0, 0], sizes = [128, 1], strides = [1, 1]} : vector<1536x1xi32> to vector<128x1xi32>
    %lt3A = vector.broadcast %slice3A_85 : vector<128x1xi32> to vector<128x128xi32>
    %lt3A_86 = vector.broadcast %add3A_84 : vector<1x128xi32> to vector<128x128xi32>
    %lt3A_87 = arith.cmpi slt, %lt3A, %lt3A_86 : vector<128x128xi32>
    %jit3A = arith.constant 0.000000e+00 : f32
    %broadcast_in_dim3A = vector.broadcast %jit3A : f32 to vector<128x128xf32>
    %select_n3A = arith.select %lt3A_87, %div3A, %broadcast_in_dim3A : vector<128x128xi1>, vector<128x128xf32>
    %reduce_max3A = arith.constant dense<0xFF800000> : vector<128xf32>
    %reduce_max3A_88 = vector.multi_reduction <maximumf>, %select_n3A, %reduce_max3A [0] : vector<128x128xf32> to vector<128xf32>
    %broadcast_in_dim3A_89 = vector.shape_cast %reduce_max3A_88 : vector<128xf32> to vector<1x128xf32>
    %slice3A_90 = vector.extract_strided_slice %get3A_24 {offsets = [0, 0], sizes = [1, 128], strides = [1, 1]} : vector<1x1536xf32> to vector<1x128xf32>
    %lt3A_91 = arith.constant 4.500000e-01 : f32
    %lt3A_92 = vector.broadcast %lt3A_91 : f32 to vector<1x128xf32>
    %lt3A_93 = arith.cmpf olt, %broadcast_in_dim3A_89, %lt3A_92 : vector<1x128xf32>
    %gt3A = arith.constant 2.500000e-01 : f32
    %gt3A_94 = vector.broadcast %gt3A : f32 to vector<1x128xf32>
    %gt3A_95 = arith.cmpf ogt, %slice3A_90, %gt3A_94 : vector<1x128xf32>
    %and3A = arith.andi %lt3A_93, %gt3A_95 : vector<1x128xi1>
    %jit3A_96 = arith.constant -1.000000e+00 : f32
    %broadcast_in_dim3A_97 = vector.broadcast %jit3A_96 : f32 to vector<1x128xf32>
    %select_n3A_98 = arith.select %and3A, %slice3A_90, %broadcast_in_dim3A_97 : vector<1x128xi1>, vector<1x128xf32>
    %swap3A = arith.constant 0 : index
    %swap3A_99 = arith.constant 0 : index
    %swap3A_100 = arith.constant 0 : index
    %swap3A_101 = vector.load %arg10[%swap3A, %swap3A_99, %swap3A_100] : memref<1x1x1536xf32, #tpu.memory_space<vmem>>, vector<1x1x128xf32>
    %swap3A_102 = vector.shape_cast %swap3A_101 : vector<1x1x128xf32> to vector<1x128xf32>
    %swap3A_103 = vector.shape_cast %select_n3A_98 : vector<1x128xf32> to vector<1x1x128xf32>
    tpu.vector_store %arg10[%swap3A, %swap3A_99, %swap3A_100], %swap3A_103 {strides = array<i32>} : memref<1x1x1536xf32, #tpu.memory_space<vmem>>, vector<1x1x128xf32>,
    %get3A_104 = arith.constant 0 : index
    %get3A_105 = arith.constant 0 : index
    %get3A_106 = arith.constant 0 : index
    %get3A_107 = vector.load %arg2[%get3A_104, %get3A_105, %get3A_106] : memref<1x1x1536xf32, #tpu.memory_space<vmem>>, vector<1x1x1536xf32>
    %get3A_108 = vector.shape_cast %get3A_107 : vector<1x1x1536xf32> to vector<1x1536xf32>
    %slice3A_109 = vector.extract_strided_slice %get3A_108 {offsets = [0, 128], sizes = [1, 128], strides = [1, 1]} : vector<1x1536xf32> to vector<1x128xf32>
    %get3A_110 = arith.constant 0 : index
    %get3A_111 = arith.constant 0 : index
    %get3A_112 = arith.constant 0 : index
    %get3A_113 = vector.load %arg3[%get3A_110, %get3A_111, %get3A_112] : memref<1x1x1536xf32, #tpu.memory_space<vmem>>, vector<1x1x1536xf32>
    %get3A_114 = vector.shape_cast %get3A_113 : vector<1x1x1536xf32> to vector<1x1536xf32>
    %slice3A_115 = vector.extract_strided_slice %get3A_114 {offsets = [0, 128], sizes = [1, 128], strides = [1, 1]} : vector<1x1536xf32> to vector<1x128xf32>
    %get3A_116 = arith.constant 0 : index
    %get3A_117 = arith.constant 0 : index
    %get3A_118 = arith.constant 0 : index
    %get3A_119 = vector.load %arg4[%get3A_116, %get3A_117, %get3A_118] : memref<1x1x1536xf32, #tpu.memory_space<vmem>>, vector<1x1x1536xf32>
    %get3A_120 = vector.shape_cast %get3A_119 : vector<1x1x1536xf32> to vector<1x1536xf32>
    %slice3A_121 = vector.extract_strided_slice %get3A_120 {offsets = [0, 128], sizes = [1, 128], strides = [1, 1]} : vector<1x1536xf32> to vector<1x128xf32>
    %get3A_122 = arith.constant 0 : index
    %get3A_123 = arith.constant 0 : index
    %get3A_124 = arith.constant 0 : index
    %get3A_125 = vector.load %arg5[%get3A_122, %get3A_123, %get3A_124] : memref<1x1x1536xf32, #tpu.memory_space<vmem>>, vector<1x1x1536xf32>
    %get3A_126 = vector.shape_cast %get3A_125 : vector<1x1x1536xf32> to vector<1x1536xf32>
    %slice3A_127 = vector.extract_strided_slice %get3A_126 {offsets = [0, 128], sizes = [1, 128], strides = [1, 1]} : vector<1x1536xf32> to vector<1x128xf32>
    %sub3A_128 = arith.subf %slice3A_121, %slice3A_109 : vector<1x128xf32>
    %sub3A_129 = arith.subf %slice3A_127, %slice3A_115 : vector<1x128xf32>
    %mul3A_130 = arith.mulf %sub3A_128, %sub3A_129 : vector<1x128xf32>
    %slice3A_131 = vector.extract_strided_slice %get3A_3 {offsets = [0, 0], sizes = [256, 1], strides = [1, 1]} : vector<1536x1xf32> to vector<256x1xf32>
    %slice3A_132 = vector.extract_strided_slice %get3A_8 {offsets = [0, 0], sizes = [256, 1], strides = [1, 1]} : vector<1536x1xf32> to vector<256x1xf32>
    %slice3A_133 = vector.extract_strided_slice %get3A_13 {offsets = [0, 0], sizes = [256, 1], strides = [1, 1]} : vector<1536x1xf32> to vector<256x1xf32>
    %slice3A_134 = vector.extract_strided_slice %get3A_18 {offsets = [0, 0], sizes = [256, 1], strides = [1, 1]} : vector<1536x1xf32> to vector<256x1xf32>
    %max3A_135 = vector.broadcast %slice3A_131 : vector<256x1xf32> to vector<256x128xf32>
    %max3A_136 = vector.broadcast %slice3A_109 : vector<1x128xf32> to vector<256x128xf32>
    %max3A_137 = arith.maximumf %max3A_135, %max3A_136 : vector<256x128xf32>
    %max3A_138 = vector.broadcast %slice3A_132 : vector<256x1xf32> to vector<256x128xf32>
    %max3A_139 = vector.broadcast %slice3A_115 : vector<1x128xf32> to vector<256x128xf32>
    %max3A_140 = arith.maximumf %max3A_138, %max3A_139 : vector<256x128xf32>
    %min3A_141 = vector.broadcast %slice3A_133 : vector<256x1xf32> to vector<256x128xf32>
    %min3A_142 = vector.broadcast %slice3A_121 : vector<1x128xf32> to vector<256x128xf32>
    %min3A_143 = arith.minimumf %min3A_141, %min3A_142 : vector<256x128xf32>
    %min3A_144 = vector.broadcast %slice3A_134 : vector<256x1xf32> to vector<256x128xf32>
    %min3A_145 = vector.broadcast %slice3A_127 : vector<1x128xf32> to vector<256x128xf32>
    %min3A_146 = arith.minimumf %min3A_144, %min3A_145 : vector<256x128xf32>
    %sub3A_147 = arith.subf %min3A_143, %max3A_137 : vector<256x128xf32>
    %max3A_148 = arith.constant 0.000000e+00 : f32
    %max3A_149 = vector.broadcast %max3A_148 : f32 to vector<256x128xf32>
    %max3A_150 = arith.maximumf %sub3A_147, %max3A_149 : vector<256x128xf32>
    %sub3A_151 = arith.subf %min3A_146, %max3A_140 : vector<256x128xf32>
    %max3A_152 = arith.constant 0.000000e+00 : f32
    %max3A_153 = vector.broadcast %max3A_152 : f32 to vector<256x128xf32>
    %max3A_154 = arith.maximumf %sub3A_151, %max3A_153 : vector<256x128xf32>
    %mul3A_155 = arith.mulf %max3A_150, %max3A_154 : vector<256x128xf32>
    %slice3A_156 = vector.extract_strided_slice %mul3A {offsets = [0, 0], sizes = [256, 1], strides = [1, 1]} : vector<1536x1xf32> to vector<256x1xf32>
    %add3A_157 = vector.broadcast %slice3A_156 : vector<256x1xf32> to vector<256x128xf32>
    %add3A_158 = vector.broadcast %mul3A_130 : vector<1x128xf32> to vector<256x128xf32>
    %add3A_159 = arith.addf %add3A_157, %add3A_158 : vector<256x128xf32>
    %sub3A_160 = arith.subf %add3A_159, %mul3A_155 : vector<256x128xf32>
    %add3A_161 = arith.constant 1.000000e-07 : f32
    %add3A_162 = vector.broadcast %add3A_161 : f32 to vector<256x128xf32>
    %add3A_163 = arith.addf %sub3A_160, %add3A_162 : vector<256x128xf32>
    %div3A_164 = arith.divf %mul3A_155, %add3A_163 : vector<256x128xf32>
    %iota3A_165 = tpu.iota {dimensions = array<i32: 1>} : vector<1x128xi32>
    %add3A_166 = arith.constant 128 : i32
    %add3A_167 = vector.broadcast %add3A_166 : i32 to vector<1x128xi32>
    %add3A_168 = arith.addi %add3A_167, %iota3A_165 : vector<1x128xi32>
    %slice3A_169 = vector.extract_strided_slice %iota3A {offsets = [0, 0], sizes = [256, 1], strides = [1, 1]} : vector<1536x1xi32> to vector<256x1xi32>
    %lt3A_170 = vector.broadcast %slice3A_169 : vector<256x1xi32> to vector<256x128xi32>
    %lt3A_171 = vector.broadcast %add3A_168 : vector<1x128xi32> to vector<256x128xi32>
    %lt3A_172 = arith.cmpi slt, %lt3A_170, %lt3A_171 : vector<256x128xi32>
    %jit3A_173 = arith.constant 0.000000e+00 : f32
    %broadcast_in_dim3A_174 = vector.broadcast %jit3A_173 : f32 to vector<256x128xf32>
    %select_n3A_175 = arith.select %lt3A_172, %div3A_164, %broadcast_in_dim3A_174 : vector<256x128xi1>, vector<256x128xf32>
    %reduce_max3A_176 = arith.constant dense<0xFF800000> : vector<128xf32>
    %reduce_max3A_177 = vector.multi_reduction <maximumf>, %select_n3A_175, %reduce_max3A_176 [0] : vector<256x128xf32> to vector<128xf32>
    %broadcast_in_dim3A_178 = vector.shape_cast %reduce_max3A_177 : vector<128xf32> to vector<1x128xf32>
    %slice3A_179 = vector.extract_strided_slice %get3A_24 {offsets = [0, 128], sizes = [1, 128], strides = [1, 1]} : vector<1x1536xf32> to vector<1x128xf32>
    %lt3A_180 = arith.constant 4.500000e-01 : f32
    %lt3A_181 = vector.broadcast %lt3A_180 : f32 to vector<1x128xf32>
    %lt3A_182 = arith.cmpf olt, %broadcast_in_dim3A_178, %lt3A_181 : vector<1x128xf32>
    %gt3A_183 = arith.constant 2.500000e-01 : f32
    %gt3A_184 = vector.broadcast %gt3A_183 : f32 to vector<1x128xf32>
    %gt3A_185 = arith.cmpf ogt, %slice3A_179, %gt3A_184 : vector<1x128xf32>
    %and3A_186 = arith.andi %lt3A_182, %gt3A_185 : vector<1x128xi1>
    %jit3A_187 = arith.constant -1.000000e+00 : f32
    %broadcast_in_dim3A_188 = vector.broadcast %jit3A_187 : f32 to vector<1x128xf32>
    %select_n3A_189 = arith.select %and3A_186, %slice3A_179, %broadcast_in_dim3A_188 : vector<1x128xi1>, vector<1x128xf32>
    %swap3A_190 = arith.constant 0 : index
    %swap3A_191 = arith.constant 0 : index
    %swap3A_192 = arith.constant 128 : index
    %swap3A_193 = vector.load %arg10[%swap3A_190, %swap3A_191, %swap3A_192] : memref<1x1x1536xf32, #tpu.memory_space<vmem>>, vector<1x1x128xf32>
    %swap3A_194 = vector.shape_cast %swap3A_193 : vector<1x1x128xf32> to vector<1x128xf32>
    %swap3A_195 = vector.shape_cast %select_n3A_189 : vector<1x128xf32> to vector<1x1x128xf32>
    tpu.vector_store %arg10[%swap3A_190, %swap3A_191, %swap3A_192], %swap3A_195 {strides = array<i32>} : memref<1x1x1536xf32, #tpu.memory_space<vmem>>, vector<1x1x128xf32>,
    %get3A_196 = arith.constant 0 : index
    %get3A_197 = arith.constant 0 : index
    %get3A_198 = arith.constant 0 : index
    %get3A_199 = vector.load %arg2[%get3A_196, %get3A_197, %get3A_198] : memref<1x1x1536xf32, #tpu.memory_space<vmem>>, vector<1x1x1536xf32>
    %get3A_200 = vector.shape_cast %get3A_199 : vector<1x1x1536xf32> to vector<1x1536xf32>
    %slice3A_201 = vector.extract_strided_slice %get3A_200 {offsets = [0, 256], sizes = [1, 128], strides = [1, 1]} : vector<1x1536xf32> to vector<1x128xf32>
    %get3A_202 = arith.constant 0 : index
    %get3A_203 = arith.constant 0 : index
    %get3A_204 = arith.constant 0 : index
    %get3A_205 = vector.load %arg3[%get3A_202, %get3A_203, %get3A_204] : memref<1x1x1536xf32, #tpu.memory_space<vmem>>, vector<1x1x1536xf32>
    %get3A_206 = vector.shape_cast %get3A_205 : vector<1x1x1536xf32> to vector<1x1536xf32>
    %slice3A_207 = vector.extract_strided_slice %get3A_206 {offsets = [0, 256], sizes = [1, 128], strides = [1, 1]} : vector<1x1536xf32> to vector<1x128xf32>
    %get3A_208 = arith.constant 0 : index
    %get3A_209 = arith.constant 0 : index
    %get3A_210 = arith.constant 0 : index
    %get3A_211 = vector.load %arg4[%get3A_208, %get3A_209, %get3A_210] : memref<1x1x1536xf32, #tpu.memory_space<vmem>>, vector<1x1x1536xf32>
    %get3A_212 = vector.shape_cast %get3A_211 : vector<1x1x1536xf32> to vector<1x1536xf32>
    %slice3A_213 = vector.extract_strided_slice %get3A_212 {offsets = [0, 256], sizes = [1, 128], strides = [1, 1]} : vector<1x1536xf32> to vector<1x128xf32>
    %get3A_214 = arith.constant 0 : index
    %get3A_215 = arith.constant 0 : index
    %get3A_216 = arith.constant 0 : index
    %get3A_217 = vector.load %arg5[%get3A_214, %get3A_215, %get3A_216] : memref<1x1x1536xf32, #tpu.memory_space<vmem>>, vector<1x1x1536xf32>
    %get3A_218 = vector.shape_cast %get3A_217 : vector<1x1x1536xf32> to vector<1x1536xf32>
    %slice3A_219 = vector.extract_strided_slice %get3A_218 {offsets = [0, 256], sizes = [1, 128], strides = [1, 1]} : vector<1x1536xf32> to vector<1x128xf32>
    %sub3A_220 = arith.subf %slice3A_213, %slice3A_201 : vector<1x128xf32>
    %sub3A_221 = arith.subf %slice3A_219, %slice3A_207 : vector<1x128xf32>
    %mul3A_222 = arith.mulf %sub3A_220, %sub3A_221 : vector<1x128xf32>
    %slice3A_223 = vector.extract_strided_slice %get3A_3 {offsets = [0, 0], sizes = [384, 1], strides = [1, 1]} : vector<1536x1xf32> to vector<384x1xf32>
    %slice3A_224 = vector.extract_strided_slice %get3A_8 {offsets = [0, 0], sizes = [384, 1], strides = [1, 1]} : vector<1536x1xf32> to vector<384x1xf32>
    %slice3A_225 = vector.extract_strided_slice %get3A_13 {offsets = [0, 0], sizes = [384, 1], strides = [1, 1]} : vector<1536x1xf32> to vector<384x1xf32>
    %slice3A_226 = vector.extract_strided_slice %get3A_18 {offsets = [0, 0], sizes = [384, 1], strides = [1, 1]} : vector<1536x1xf32> to vector<384x1xf32>
    %max3A_227 = vector.broadcast %slice3A_223 : vector<384x1xf32> to vector<384x128xf32>
    %max3A_228 = vector.broadcast %slice3A_201 : vector<1x128xf32> to vector<384x128xf32>
    %max3A_229 = arith.maximumf %max3A_227, %max3A_228 : vector<384x128xf32>
    %max3A_230 = vector.broadcast %slice3A_224 : vector<384x1xf32> to vector<384x128xf32>
    %max3A_231 = vector.broadcast %slice3A_207 : vector<1x128xf32> to vector<384x128xf32>
    %max3A_232 = arith.maximumf %max3A_230, %max3A_231 : vector<384x128xf32>
    %min3A_233 = vector.broadcast %slice3A_225 : vector<384x1xf32> to vector<384x128xf32>
    %min3A_234 = vector.broadcast %slice3A_213 : vector<1x128xf32> to vector<384x128xf32>
    %min3A_235 = arith.minimumf %min3A_233, %min3A_234 : vector<384x128xf32>
    %min3A_236 = vector.broadcast %slice3A_226 : vector<384x1xf32> to vector<384x128xf32>
    %min3A_237 = vector.broadcast %slice3A_219 : vector<1x128xf32> to vector<384x128xf32>
    %min3A_238 = arith.minimumf %min3A_236, %min3A_237 : vector<384x128xf32>
    %sub3A_239 = arith.subf %min3A_235, %max3A_229 : vector<384x128xf32>
    %max3A_240 = arith.constant 0.000000e+00 : f32
    %max3A_241 = vector.broadcast %max3A_240 : f32 to vector<384x128xf32>
    %max3A_242 = arith.maximumf %sub3A_239, %max3A_241 : vector<384x128xf32>
    %sub3A_243 = arith.subf %min3A_238, %max3A_232 : vector<384x128xf32>
    %max3A_244 = arith.constant 0.000000e+00 : f32
    %max3A_245 = vector.broadcast %max3A_244 : f32 to vector<384x128xf32>
    %max3A_246 = arith.maximumf %sub3A_243, %max3A_245 : vector<384x128xf32>
    %mul3A_247 = arith.mulf %max3A_242, %max3A_246 : vector<384x128xf32>
    %slice3A_248 = vector.extract_strided_slice %mul3A {offsets = [0, 0], sizes = [384, 1], strides = [1, 1]} : vector<1536x1xf32> to vector<384x1xf32>
    %add3A_249 = vector.broadcast %slice3A_248 : vector<384x1xf32> to vector<384x128xf32>
    %add3A_250 = vector.broadcast %mul3A_222 : vector<1x128xf32> to vector<384x128xf32>
    %add3A_251 = arith.addf %add3A_249, %add3A_250 : vector<384x128xf32>
    %sub3A_252 = arith.subf %add3A_251, %mul3A_247 : vector<384x128xf32>
    %add3A_253 = arith.constant 1.000000e-07 : f32
    %add3A_254 = vector.broadcast %add3A_253 : f32 to vector<384x128xf32>
    %add3A_255 = arith.addf %sub3A_252, %add3A_254 : vector<384x128xf32>
    %div3A_256 = arith.divf %mul3A_247, %add3A_255 : vector<384x128xf32>
    %iota3A_257 = tpu.iota {dimensions = array<i32: 1>} : vector<1x128xi32>
    %add3A_258 = arith.constant 256 : i32
    %add3A_259 = vector.broadcast %add3A_258 : i32 to vector<1x128xi32>
    %add3A_260 = arith.addi %add3A_259, %iota3A_257 : vector<1x128xi32>
    %slice3A_261 = vector.extract_strided_slice %iota3A {offsets = [0, 0], sizes = [384, 1], strides = [1, 1]} : vector<1536x1xi32> to vector<384x1xi32>
    %lt3A_262 = vector.broadcast %slice3A_261 : vector<384x1xi32> to vector<384x128xi32>
    %lt3A_263 = vector.broadcast %add3A_260 : vector<1x128xi32> to vector<384x128xi32>
    %lt3A_264 = arith.cmpi slt, %lt3A_262, %lt3A_263 : vector<384x128xi32>
    %jit3A_265 = arith.constant 0.000000e+00 : f32
    %broadcast_in_dim3A_266 = vector.broadcast %jit3A_265 : f32 to vector<384x128xf32>
    %select_n3A_267 = arith.select %lt3A_264, %div3A_256, %broadcast_in_dim3A_266 : vector<384x128xi1>, vector<384x128xf32>
    %reduce_max3A_268 = arith.constant dense<0xFF800000> : vector<128xf32>
    %reduce_max3A_269 = vector.multi_reduction <maximumf>, %select_n3A_267, %reduce_max3A_268 [0] : vector<384x128xf32> to vector<128xf32>
    %broadcast_in_dim3A_270 = vector.shape_cast %reduce_max3A_269 : vector<128xf32> to vector<1x128xf32>
    %slice3A_271 = vector.extract_strided_slice %get3A_24 {offsets = [0, 256], sizes = [1, 128], strides = [1, 1]} : vector<1x1536xf32> to vector<1x128xf32>
    %lt3A_272 = arith.constant 4.500000e-01 : f32
    %lt3A_273 = vector.broadcast %lt3A_272 : f32 to vector<1x128xf32>
    %lt3A_274 = arith.cmpf olt, %broadcast_in_dim3A_270, %lt3A_273 : vector<1x128xf32>
    %gt3A_275 = arith.constant 2.500000e-01 : f32
    %gt3A_276 = vector.broadcast %gt3A_275 : f32 to vector<1x128xf32>
    %gt3A_277 = arith.cmpf ogt, %slice3A_271, %gt3A_276 : vector<1x128xf32>
    %and3A_278 = arith.andi %lt3A_274, %gt3A_277 : vector<1x128xi1>
    %jit3A_279 = arith.constant -1.000000e+00 : f32
    %broadcast_in_dim3A_280 = vector.broadcast %jit3A_279 : f32 to vector<1x128xf32>
    %select_n3A_281 = arith.select %and3A_278, %slice3A_271, %broadcast_in_dim3A_280 : vector<1x128xi1>, vector<1x128xf32>
    %swap3A_282 = arith.constant 0 : index
    %swap3A_283 = arith.constant 0 : index
    %swap3A_284 = arith.constant 256 : index
    %swap3A_285 = vector.load %arg10[%swap3A_282, %swap3A_283, %swap3A_284] : memref<1x1x1536xf32, #tpu.memory_space<vmem>>, vector<1x1x128xf32>
    %swap3A_286 = vector.shape_cast %swap3A_285 : vector<1x1x128xf32> to vector<1x128xf32>
    %swap3A_287 = vector.shape_cast %select_n3A_281 : vector<1x128xf32> to vector<1x1x128xf32>
    tpu.vector_store %arg10[%swap3A_282, %swap3A_283, %swap3A_284], %swap3A_287 {strides = array<i32>} : memref<1x1x1536xf32, #tpu.memory_space<vmem>>, vector<1x1x128xf32>,
    %get3A_288 = arith.constant 0 : index
    %get3A_289 = arith.constant 0 : index
    %get3A_290 = arith.constant 0 : index
    %get3A_291 = vector.load %arg2[%get3A_288, %get3A_289, %get3A_290] : memref<1x1x1536xf32, #tpu.memory_space<vmem>>, vector<1x1x1536xf32>
    %get3A_292 = vector.shape_cast %get3A_291 : vector<1x1x1536xf32> to vector<1x1536xf32>
    %slice3A_293 = vector.extract_strided_slice %get3A_292 {offsets = [0, 384], sizes = [1, 128], strides = [1, 1]} : vector<1x1536xf32> to vector<1x128xf32>
    %get3A_294 = arith.constant 0 : index
    %get3A_295 = arith.constant 0 : index
    %get3A_296 = arith.constant 0 : index
    %get3A_297 = vector.load %arg3[%get3A_294, %get3A_295, %get3A_296] : memref<1x1x1536xf32, #tpu.memory_space<vmem>>, vector<1x1x1536xf32>
    %get3A_298 = vector.shape_cast %get3A_297 : vector<1x1x1536xf32> to vector<1x1536xf32>
    %slice3A_299 = vector.extract_strided_slice %get3A_298 {offsets = [0, 384], sizes = [1, 128], strides = [1, 1]} : vector<1x1536xf32> to vector<1x128xf32>
    %get3A_300 = arith.constant 0 : index
    %get3A_301 = arith.constant 0 : index
    %get3A_302 = arith.constant 0 : index
    %get3A_303 = vector.load %arg4[%get3A_300, %get3A_301, %get3A_302] : memref<1x1x1536xf32, #tpu.memory_space<vmem>>, vector<1x1x1536xf32>
    %get3A_304 = vector.shape_cast %get3A_303 : vector<1x1x1536xf32> to vector<1x1536xf32>
    %slice3A_305 = vector.extract_strided_slice %get3A_304 {offsets = [0, 384], sizes = [1, 128], strides = [1, 1]} : vector<1x1536xf32> to vector<1x128xf32>
    %get3A_306 = arith.constant 0 : index
    %get3A_307 = arith.constant 0 : index
    %get3A_308 = arith.constant 0 : index
    %get3A_309 = vector.load %arg5[%get3A_306, %get3A_307, %get3A_308] : memref<1x1x1536xf32, #tpu.memory_space<vmem>>, vector<1x1x1536xf32>
    %get3A_310 = vector.shape_cast %get3A_309 : vector<1x1x1536xf32> to vector<1x1536xf32>
    %slice3A_311 = vector.extract_strided_slice %get3A_310 {offsets = [0, 384], sizes = [1, 128], strides = [1, 1]} : vector<1x1536xf32> to vector<1x128xf32>
    %sub3A_312 = arith.subf %slice3A_305, %slice3A_293 : vector<1x128xf32>
    %sub3A_313 = arith.subf %slice3A_311, %slice3A_299 : vector<1x128xf32>
    %mul3A_314 = arith.mulf %sub3A_312, %sub3A_313 : vector<1x128xf32>
    %slice3A_315 = vector.extract_strided_slice %get3A_3 {offsets = [0, 0], sizes = [512, 1], strides = [1, 1]} : vector<1536x1xf32> to vector<512x1xf32>
    %slice3A_316 = vector.extract_strided_slice %get3A_8 {offsets = [0, 0], sizes = [512, 1], strides = [1, 1]} : vector<1536x1xf32> to vector<512x1xf32>
    %slice3A_317 = vector.extract_strided_slice %get3A_13 {offsets = [0, 0], sizes = [512, 1], strides = [1, 1]} : vector<1536x1xf32> to vector<512x1xf32>
    %slice3A_318 = vector.extract_strided_slice %get3A_18 {offsets = [0, 0], sizes = [512, 1], strides = [1, 1]} : vector<1536x1xf32> to vector<512x1xf32>
    %max3A_319 = vector.broadcast %slice3A_315 : vector<512x1xf32> to vector<512x128xf32>
    %max3A_320 = vector.broadcast %slice3A_293 : vector<1x128xf32> to vector<512x128xf32>
    %max3A_321 = arith.maximumf %max3A_319, %max3A_320 : vector<512x128xf32>
    %max3A_322 = vector.broadcast %slice3A_316 : vector<512x1xf32> to vector<512x128xf32>
    %max3A_323 = vector.broadcast %slice3A_299 : vector<1x128xf32> to vector<512x128xf32>
    %max3A_324 = arith.maximumf %max3A_322, %max3A_323 : vector<512x128xf32>
    %min3A_325 = vector.broadcast %slice3A_317 : vector<512x1xf32> to vector<512x128xf32>
    %min3A_326 = vector.broadcast %slice3A_305 : vector<1x128xf32> to vector<512x128xf32>
    %min3A_327 = arith.minimumf %min3A_325, %min3A_326 : vector<512x128xf32>
    %min3A_328 = vector.broadcast %slice3A_318 : vector<512x1xf32> to vector<512x128xf32>
    %min3A_329 = vector.broadcast %slice3A_311 : vector<1x128xf32> to vector<512x128xf32>
    %min3A_330 = arith.minimumf %min3A_328, %min3A_329 : vector<512x128xf32>
    %sub3A_331 = arith.subf %min3A_327, %max3A_321 : vector<512x128xf32>
    %max3A_332 = arith.constant 0.000000e+00 : f32
    %max3A_333 = vector.broadcast %max3A_332 : f32 to vector<512x128xf32>
    %max3A_334 = arith.maximumf %sub3A_331, %max3A_333 : vector<512x128xf32>
    %sub3A_335 = arith.subf %min3A_330, %max3A_324 : vector<512x128xf32>
    %max3A_336 = arith.constant 0.000000e+00 : f32
    %max3A_337 = vector.broadcast %max3A_336 : f32 to vector<512x128xf32>
    %max3A_338 = arith.maximumf %sub3A_335, %max3A_337 : vector<512x128xf32>
    %mul3A_339 = arith.mulf %max3A_334, %max3A_338 : vector<512x128xf32>
    %slice3A_340 = vector.extract_strided_slice %mul3A {offsets = [0, 0], sizes = [512, 1], strides = [1, 1]} : vector<1536x1xf32> to vector<512x1xf32>
    %add3A_341 = vector.broadcast %slice3A_340 : vector<512x1xf32> to vector<512x128xf32>
    %add3A_342 = vector.broadcast %mul3A_314 : vector<1x128xf32> to vector<512x128xf32>
    %add3A_343 = arith.addf %add3A_341, %add3A_342 : vector<512x128xf32>
    %sub3A_344 = arith.subf %add3A_343, %mul3A_339 : vector<512x128xf32>
    %add3A_345 = arith.constant 1.000000e-07 : f32
    %add3A_346 = vector.broadcast %add3A_345 : f32 to vector<512x128xf32>
    %add3A_347 = arith.addf %sub3A_344, %add3A_346 : vector<512x128xf32>
    %div3A_348 = arith.divf %mul3A_339, %add3A_347 : vector<512x128xf32>
    %iota3A_349 = tpu.iota {dimensions = array<i32: 1>} : vector<1x128xi32>
    %add3A_350 = arith.constant 384 : i32
    %add3A_351 = vector.broadcast %add3A_350 : i32 to vector<1x128xi32>
    %add3A_352 = arith.addi %add3A_351, %iota3A_349 : vector<1x128xi32>
    %slice3A_353 = vector.extract_strided_slice %iota3A {offsets = [0, 0], sizes = [512, 1], strides = [1, 1]} : vector<1536x1xi32> to vector<512x1xi32>
    %lt3A_354 = vector.broadcast %slice3A_353 : vector<512x1xi32> to vector<512x128xi32>
    %lt3A_355 = vector.broadcast %add3A_352 : vector<1x128xi32> to vector<512x128xi32>
    %lt3A_356 = arith.cmpi slt, %lt3A_354, %lt3A_355 : vector<512x128xi32>
    %jit3A_357 = arith.constant 0.000000e+00 : f32
    %broadcast_in_dim3A_358 = vector.broadcast %jit3A_357 : f32 to vector<512x128xf32>
    %select_n3A_359 = arith.select %lt3A_356, %div3A_348, %broadcast_in_dim3A_358 : vector<512x128xi1>, vector<512x128xf32>
    %reduce_max3A_360 = arith.constant dense<0xFF800000> : vector<128xf32>
    %reduce_max3A_361 = vector.multi_reduction <maximumf>, %select_n3A_359, %reduce_max3A_360 [0] : vector<512x128xf32> to vector<128xf32>
    %broadcast_in_dim3A_362 = vector.shape_cast %reduce_max3A_361 : vector<128xf32> to vector<1x128xf32>
    %slice3A_363 = vector.extract_strided_slice %get3A_24 {offsets = [0, 384], sizes = [1, 128], strides = [1, 1]} : vector<1x1536xf32> to vector<1x128xf32>
    %lt3A_364 = arith.constant 4.500000e-01 : f32
    %lt3A_365 = vector.broadcast %lt3A_364 : f32 to vector<1x128xf32>
    %lt3A_366 = arith.cmpf olt, %broadcast_in_dim3A_362, %lt3A_365 : vector<1x128xf32>
    %gt3A_367 = arith.constant 2.500000e-01 : f32
    %gt3A_368 = vector.broadcast %gt3A_367 : f32 to vector<1x128xf32>
    %gt3A_369 = arith.cmpf ogt, %slice3A_363, %gt3A_368 : vector<1x128xf32>
    %and3A_370 = arith.andi %lt3A_366, %gt3A_369 : vector<1x128xi1>
    %jit3A_371 = arith.constant -1.000000e+00 : f32
    %broadcast_in_dim3A_372 = vector.broadcast %jit3A_371 : f32 to vector<1x128xf32>
    %select_n3A_373 = arith.select %and3A_370, %slice3A_363, %broadcast_in_dim3A_372 : vector<1x128xi1>, vector<1x128xf32>
    %swap3A_374 = arith.constant 0 : index
    %swap3A_375 = arith.constant 0 : index
    %swap3A_376 = arith.constant 384 : index
    %swap3A_377 = vector.load %arg10[%swap3A_374, %swap3A_375, %swap3A_376] : memref<1x1x1536xf32, #tpu.memory_space<vmem>>, vector<1x1x128xf32>
    %swap3A_378 = vector.shape_cast %swap3A_377 : vector<1x1x128xf32> to vector<1x128xf32>
    %swap3A_379 = vector.shape_cast %select_n3A_373 : vector<1x128xf32> to vector<1x1x128xf32>
    tpu.vector_store %arg10[%swap3A_374, %swap3A_375, %swap3A_376], %swap3A_379 {strides = array<i32>} : memref<1x1x1536xf32, #tpu.memory_space<vmem>>, vector<1x1x128xf32>,
    %get3A_380 = arith.constant 0 : index
    %get3A_381 = arith.constant 0 : index
    %get3A_382 = arith.constant 0 : index
    %get3A_383 = vector.load %arg2[%get3A_380, %get3A_381, %get3A_382] : memref<1x1x1536xf32, #tpu.memory_space<vmem>>, vector<1x1x1536xf32>
    %get3A_384 = vector.shape_cast %get3A_383 : vector<1x1x1536xf32> to vector<1x1536xf32>
    %slice3A_385 = vector.extract_strided_slice %get3A_384 {offsets = [0, 512], sizes = [1, 128], strides = [1, 1]} : vector<1x1536xf32> to vector<1x128xf32>
    %get3A_386 = arith.constant 0 : index
    %get3A_387 = arith.constant 0 : index
    %get3A_388 = arith.constant 0 : index
    %get3A_389 = vector.load %arg3[%get3A_386, %get3A_387, %get3A_388] : memref<1x1x1536xf32, #tpu.memory_space<vmem>>, vector<1x1x1536xf32>
    %get3A_390 = vector.shape_cast %get3A_389 : vector<1x1x1536xf32> to vector<1x1536xf32>
    %slice3A_391 = vector.extract_strided_slice %get3A_390 {offsets = [0, 512], sizes = [1, 128], strides = [1, 1]} : vector<1x1536xf32> to vector<1x128xf32>
    %get3A_392 = arith.constant 0 : index
    %get3A_393 = arith.constant 0 : index
    %get3A_394 = arith.constant 0 : index
    %get3A_395 = vector.load %arg4[%get3A_392, %get3A_393, %get3A_394] : memref<1x1x1536xf32, #tpu.memory_space<vmem>>, vector<1x1x1536xf32>
    %get3A_396 = vector.shape_cast %get3A_395 : vector<1x1x1536xf32> to vector<1x1536xf32>
    %slice3A_397 = vector.extract_strided_slice %get3A_396 {offsets = [0, 512], sizes = [1, 128], strides = [1, 1]} : vector<1x1536xf32> to vector<1x128xf32>
    %get3A_398 = arith.constant 0 : index
    %get3A_399 = arith.constant 0 : index
    %get3A_400 = arith.constant 0 : index
    %get3A_401 = vector.load %arg5[%get3A_398, %get3A_399, %get3A_400] : memref<1x1x1536xf32, #tpu.memory_space<vmem>>, vector<1x1x1536xf32>
    %get3A_402 = vector.shape_cast %get3A_401 : vector<1x1x1536xf32> to vector<1x1536xf32>
    %slice3A_403 = vector.extract_strided_slice %get3A_402 {offsets = [0, 512], sizes = [1, 128], strides = [1, 1]} : vector<1x1536xf32> to vector<1x128xf32>
    %sub3A_404 = arith.subf %slice3A_397, %slice3A_385 : vector<1x128xf32>
    %sub3A_405 = arith.subf %slice3A_403, %slice3A_391 : vector<1x128xf32>
    %mul3A_406 = arith.mulf %sub3A_404, %sub3A_405 : vector<1x128xf32>
    %slice3A_407 = vector.extract_strided_slice %get3A_3 {offsets = [0, 0], sizes = [640, 1], strides = [1, 1]} : vector<1536x1xf32> to vector<640x1xf32>
    %slice3A_408 = vector.extract_strided_slice %get3A_8 {offsets = [0, 0], sizes = [640, 1], strides = [1, 1]} : vector<1536x1xf32> to vector<640x1xf32>
    %slice3A_409 = vector.extract_strided_slice %get3A_13 {offsets = [0, 0], sizes = [640, 1], strides = [1, 1]} : vector<1536x1xf32> to vector<640x1xf32>
    %slice3A_410 = vector.extract_strided_slice %get3A_18 {offsets = [0, 0], sizes = [640, 1], strides = [1, 1]} : vector<1536x1xf32> to vector<640x1xf32>
    %max3A_411 = vector.broadcast %slice3A_407 : vector<640x1xf32> to vector<640x128xf32>
    %max3A_412 = vector.broadcast %slice3A_385 : vector<1x128xf32> to vector<640x128xf32>
    %max3A_413 = arith.maximumf %max3A_411, %max3A_412 : vector<640x128xf32>
    %max3A_414 = vector.broadcast %slice3A_408 : vector<640x1xf32> to vector<640x128xf32>
    %max3A_415 = vector.broadcast %slice3A_391 : vector<1x128xf32> to vector<640x128xf32>
    %max3A_416 = arith.maximumf %max3A_414, %max3A_415 : vector<640x128xf32>
    %min3A_417 = vector.broadcast %slice3A_409 : vector<640x1xf32> to vector<640x128xf32>
    %min3A_418 = vector.broadcast %slice3A_397 : vector<1x128xf32> to vector<640x128xf32>
    %min3A_419 = arith.minimumf %min3A_417, %min3A_418 : vector<640x128xf32>
    %min3A_420 = vector.broadcast %slice3A_410 : vector<640x1xf32> to vector<640x128xf32>
    %min3A_421 = vector.broadcast %slice3A_403 : vector<1x128xf32> to vector<640x128xf32>
    %min3A_422 = arith.minimumf %min3A_420, %min3A_421 : vector<640x128xf32>
    %sub3A_423 = arith.subf %min3A_419, %max3A_413 : vector<640x128xf32>
    %max3A_424 = arith.constant 0.000000e+00 : f32
    %max3A_425 = vector.broadcast %max3A_424 : f32 to vector<640x128xf32>
    %max3A_426 = arith.maximumf %sub3A_423, %max3A_425 : vector<640x128xf32>
    %sub3A_427 = arith.subf %min3A_422, %max3A_416 : vector<640x128xf32>
    %max3A_428 = arith.constant 0.000000e+00 : f32
    %max3A_429 = vector.broadcast %max3A_428 : f32 to vector<640x128xf32>
    %max3A_430 = arith.maximumf %sub3A_427, %max3A_429 : vector<640x128xf32>
    %mul3A_431 = arith.mulf %max3A_426, %max3A_430 : vector<640x128xf32>
    %slice3A_432 = vector.extract_strided_slice %mul3A {offsets = [0, 0], sizes = [640, 1], strides = [1, 1]} : vector<1536x1xf32> to vector<640x1xf32>
    %add3A_433 = vector.broadcast %slice3A_432 : vector<640x1xf32> to vector<640x128xf32>
    %add3A_434 = vector.broadcast %mul3A_406 : vector<1x128xf32> to vector<640x128xf32>
    %add3A_435 = arith.addf %add3A_433, %add3A_434 : vector<640x128xf32>
    %sub3A_436 = arith.subf %add3A_435, %mul3A_431 : vector<640x128xf32>
    %add3A_437 = arith.constant 1.000000e-07 : f32
    %add3A_438 = vector.broadcast %add3A_437 : f32 to vector<640x128xf32>
    %add3A_439 = arith.addf %sub3A_436, %add3A_438 : vector<640x128xf32>
    %div3A_440 = arith.divf %mul3A_431, %add3A_439 : vector<640x128xf32>
    %iota3A_441 = tpu.iota {dimensions = array<i32: 1>} : vector<1x128xi32>
    %add3A_442 = arith.constant 512 : i32
    %add3A_443 = vector.broadcast %add3A_442 : i32 to vector<1x128xi32>
    %add3A_444 = arith.addi %add3A_443, %iota3A_441 : vector<1x128xi32>
    %slice3A_445 = vector.extract_strided_slice %iota3A {offsets = [0, 0], sizes = [640, 1], strides = [1, 1]} : vector<1536x1xi32> to vector<640x1xi32>
    %lt3A_446 = vector.broadcast %slice3A_445 : vector<640x1xi32> to vector<640x128xi32>
    %lt3A_447 = vector.broadcast %add3A_444 : vector<1x128xi32> to vector<640x128xi32>
    %lt3A_448 = arith.cmpi slt, %lt3A_446, %lt3A_447 : vector<640x128xi32>
    %jit3A_449 = arith.constant 0.000000e+00 : f32
    %broadcast_in_dim3A_450 = vector.broadcast %jit3A_449 : f32 to vector<640x128xf32>
    %select_n3A_451 = arith.select %lt3A_448, %div3A_440, %broadcast_in_dim3A_450 : vector<640x128xi1>, vector<640x128xf32>
    %reduce_max3A_452 = arith.constant dense<0xFF800000> : vector<128xf32>
    %reduce_max3A_453 = vector.multi_reduction <maximumf>, %select_n3A_451, %reduce_max3A_452 [0] : vector<640x128xf32> to vector<128xf32>
    %broadcast_in_dim3A_454 = vector.shape_cast %reduce_max3A_453 : vector<128xf32> to vector<1x128xf32>
    %slice3A_455 = vector.extract_strided_slice %get3A_24 {offsets = [0, 512], sizes = [1, 128], strides = [1, 1]} : vector<1x1536xf32> to vector<1x128xf32>
    %lt3A_456 = arith.constant 4.500000e-01 : f32
    %lt3A_457 = vector.broadcast %lt3A_456 : f32 to vector<1x128xf32>
    %lt3A_458 = arith.cmpf olt, %broadcast_in_dim3A_454, %lt3A_457 : vector<1x128xf32>
    %gt3A_459 = arith.constant 2.500000e-01 : f32
    %gt3A_460 = vector.broadcast %gt3A_459 : f32 to vector<1x128xf32>
    %gt3A_461 = arith.cmpf ogt, %slice3A_455, %gt3A_460 : vector<1x128xf32>
    %and3A_462 = arith.andi %lt3A_458, %gt3A_461 : vector<1x128xi1>
    %jit3A_463 = arith.constant -1.000000e+00 : f32
    %broadcast_in_dim3A_464 = vector.broadcast %jit3A_463 : f32 to vector<1x128xf32>
    %select_n3A_465 = arith.select %and3A_462, %slice3A_455, %broadcast_in_dim3A_464 : vector<1x128xi1>, vector<1x128xf32>
    %swap3A_466 = arith.constant 0 : index
    %swap3A_467 = arith.constant 0 : index
    %swap3A_468 = arith.constant 512 : index
    %swap3A_469 = vector.load %arg10[%swap3A_466, %swap3A_467, %swap3A_468] : memref<1x1x1536xf32, #tpu.memory_space<vmem>>, vector<1x1x128xf32>
    %swap3A_470 = vector.shape_cast %swap3A_469 : vector<1x1x128xf32> to vector<1x128xf32>
    %swap3A_471 = vector.shape_cast %select_n3A_465 : vector<1x128xf32> to vector<1x1x128xf32>
    tpu.vector_store %arg10[%swap3A_466, %swap3A_467, %swap3A_468], %swap3A_471 {strides = array<i32>} : memref<1x1x1536xf32, #tpu.memory_space<vmem>>, vector<1x1x128xf32>,
    %get3A_472 = arith.constant 0 : index
    %get3A_473 = arith.constant 0 : index
    %get3A_474 = arith.constant 0 : index
    %get3A_475 = vector.load %arg2[%get3A_472, %get3A_473, %get3A_474] : memref<1x1x1536xf32, #tpu.memory_space<vmem>>, vector<1x1x1536xf32>
    %get3A_476 = vector.shape_cast %get3A_475 : vector<1x1x1536xf32> to vector<1x1536xf32>
    %slice3A_477 = vector.extract_strided_slice %get3A_476 {offsets = [0, 640], sizes = [1, 128], strides = [1, 1]} : vector<1x1536xf32> to vector<1x128xf32>
    %get3A_478 = arith.constant 0 : index
    %get3A_479 = arith.constant 0 : index
    %get3A_480 = arith.constant 0 : index
    %get3A_481 = vector.load %arg3[%get3A_478, %get3A_479, %get3A_480] : memref<1x1x1536xf32, #tpu.memory_space<vmem>>, vector<1x1x1536xf32>
    %get3A_482 = vector.shape_cast %get3A_481 : vector<1x1x1536xf32> to vector<1x1536xf32>
    %slice3A_483 = vector.extract_strided_slice %get3A_482 {offsets = [0, 640], sizes = [1, 128], strides = [1, 1]} : vector<1x1536xf32> to vector<1x128xf32>
    %get3A_484 = arith.constant 0 : index
    %get3A_485 = arith.constant 0 : index
    %get3A_486 = arith.constant 0 : index
    %get3A_487 = vector.load %arg4[%get3A_484, %get3A_485, %get3A_486] : memref<1x1x1536xf32, #tpu.memory_space<vmem>>, vector<1x1x1536xf32>
    %get3A_488 = vector.shape_cast %get3A_487 : vector<1x1x1536xf32> to vector<1x1536xf32>
    %slice3A_489 = vector.extract_strided_slice %get3A_488 {offsets = [0, 640], sizes = [1, 128], strides = [1, 1]} : vector<1x1536xf32> to vector<1x128xf32>
    %get3A_490 = arith.constant 0 : index
    %get3A_491 = arith.constant 0 : index
    %get3A_492 = arith.constant 0 : index
    %get3A_493 = vector.load %arg5[%get3A_490, %get3A_491, %get3A_492] : memref<1x1x1536xf32, #tpu.memory_space<vmem>>, vector<1x1x1536xf32>
    %get3A_494 = vector.shape_cast %get3A_493 : vector<1x1x1536xf32> to vector<1x1536xf32>
    %slice3A_495 = vector.extract_strided_slice %get3A_494 {offsets = [0, 640], sizes = [1, 128], strides = [1, 1]} : vector<1x1536xf32> to vector<1x128xf32>
    %sub3A_496 = arith.subf %slice3A_489, %slice3A_477 : vector<1x128xf32>
    %sub3A_497 = arith.subf %slice3A_495, %slice3A_483 : vector<1x128xf32>
    %mul3A_498 = arith.mulf %sub3A_496, %sub3A_497 : vector<1x128xf32>
    %slice3A_499 = vector.extract_strided_slice %get3A_3 {offsets = [0, 0], sizes = [768, 1], strides = [1, 1]} : vector<1536x1xf32> to vector<768x1xf32>
    %slice3A_500 = vector.extract_strided_slice %get3A_8 {offsets = [0, 0], sizes = [768, 1], strides = [1, 1]} : vector<1536x1xf32> to vector<768x1xf32>
    %slice3A_501 = vector.extract_strided_slice %get3A_13 {offsets = [0, 0], sizes = [768, 1], strides = [1, 1]} : vector<1536x1xf32> to vector<768x1xf32>
    %slice3A_502 = vector.extract_strided_slice %get3A_18 {offsets = [0, 0], sizes = [768, 1], strides = [1, 1]} : vector<1536x1xf32> to vector<768x1xf32>
    %max3A_503 = vector.broadcast %slice3A_499 : vector<768x1xf32> to vector<768x128xf32>
    %max3A_504 = vector.broadcast %slice3A_477 : vector<1x128xf32> to vector<768x128xf32>
    %max3A_505 = arith.maximumf %max3A_503, %max3A_504 : vector<768x128xf32>
    %max3A_506 = vector.broadcast %slice3A_500 : vector<768x1xf32> to vector<768x128xf32>
    %max3A_507 = vector.broadcast %slice3A_483 : vector<1x128xf32> to vector<768x128xf32>
    %max3A_508 = arith.maximumf %max3A_506, %max3A_507 : vector<768x128xf32>
    %min3A_509 = vector.broadcast %slice3A_501 : vector<768x1xf32> to vector<768x128xf32>
    %min3A_510 = vector.broadcast %slice3A_489 : vector<1x128xf32> to vector<768x128xf32>
    %min3A_511 = arith.minimumf %min3A_509, %min3A_510 : vector<768x128xf32>
    %min3A_512 = vector.broadcast %slice3A_502 : vector<768x1xf32> to vector<768x128xf32>
    %min3A_513 = vector.broadcast %slice3A_495 : vector<1x128xf32> to vector<768x128xf32>
    %min3A_514 = arith.minimumf %min3A_512, %min3A_513 : vector<768x128xf32>
    %sub3A_515 = arith.subf %min3A_511, %max3A_505 : vector<768x128xf32>
    %max3A_516 = arith.constant 0.000000e+00 : f32
    %max3A_517 = vector.broadcast %max3A_516 : f32 to vector<768x128xf32>
    %max3A_518 = arith.maximumf %sub3A_515, %max3A_517 : vector<768x128xf32>
    %sub3A_519 = arith.subf %min3A_514, %max3A_508 : vector<768x128xf32>
    %max3A_520 = arith.constant 0.000000e+00 : f32
    %max3A_521 = vector.broadcast %max3A_520 : f32 to vector<768x128xf32>
    %max3A_522 = arith.maximumf %sub3A_519, %max3A_521 : vector<768x128xf32>
    %mul3A_523 = arith.mulf %max3A_518, %max3A_522 : vector<768x128xf32>
    %slice3A_524 = vector.extract_strided_slice %mul3A {offsets = [0, 0], sizes = [768, 1], strides = [1, 1]} : vector<1536x1xf32> to vector<768x1xf32>
    %add3A_525 = vector.broadcast %slice3A_524 : vector<768x1xf32> to vector<768x128xf32>
    %add3A_526 = vector.broadcast %mul3A_498 : vector<1x128xf32> to vector<768x128xf32>
    %add3A_527 = arith.addf %add3A_525, %add3A_526 : vector<768x128xf32>
    %sub3A_528 = arith.subf %add3A_527, %mul3A_523 : vector<768x128xf32>
    %add3A_529 = arith.constant 1.000000e-07 : f32
    %add3A_530 = vector.broadcast %add3A_529 : f32 to vector<768x128xf32>
    %add3A_531 = arith.addf %sub3A_528, %add3A_530 : vector<768x128xf32>
    %div3A_532 = arith.divf %mul3A_523, %add3A_531 : vector<768x128xf32>
    %iota3A_533 = tpu.iota {dimensions = array<i32: 1>} : vector<1x128xi32>
    %add3A_534 = arith.constant 640 : i32
    %add3A_535 = vector.broadcast %add3A_534 : i32 to vector<1x128xi32>
    %add3A_536 = arith.addi %add3A_535, %iota3A_533 : vector<1x128xi32>
    %slice3A_537 = vector.extract_strided_slice %iota3A {offsets = [0, 0], sizes = [768, 1], strides = [1, 1]} : vector<1536x1xi32> to vector<768x1xi32>
    %lt3A_538 = vector.broadcast %slice3A_537 : vector<768x1xi32> to vector<768x128xi32>
    %lt3A_539 = vector.broadcast %add3A_536 : vector<1x128xi32> to vector<768x128xi32>
    %lt3A_540 = arith.cmpi slt, %lt3A_538, %lt3A_539 : vector<768x128xi32>
    %jit3A_541 = arith.constant 0.000000e+00 : f32
    %broadcast_in_dim3A_542 = vector.broadcast %jit3A_541 : f32 to vector<768x128xf32>
    %select_n3A_543 = arith.select %lt3A_540, %div3A_532, %broadcast_in_dim3A_542 : vector<768x128xi1>, vector<768x128xf32>
    %reduce_max3A_544 = arith.constant dense<0xFF800000> : vector<128xf32>
    %reduce_max3A_545 = vector.multi_reduction <maximumf>, %select_n3A_543, %reduce_max3A_544 [0] : vector<768x128xf32> to vector<128xf32>
    %broadcast_in_dim3A_546 = vector.shape_cast %reduce_max3A_545 : vector<128xf32> to vector<1x128xf32>
    %slice3A_547 = vector.extract_strided_slice %get3A_24 {offsets = [0, 640], sizes = [1, 128], strides = [1, 1]} : vector<1x1536xf32> to vector<1x128xf32>
    %lt3A_548 = arith.constant 4.500000e-01 : f32
    %lt3A_549 = vector.broadcast %lt3A_548 : f32 to vector<1x128xf32>
    %lt3A_550 = arith.cmpf olt, %broadcast_in_dim3A_546, %lt3A_549 : vector<1x128xf32>
    %gt3A_551 = arith.constant 2.500000e-01 : f32
    %gt3A_552 = vector.broadcast %gt3A_551 : f32 to vector<1x128xf32>
    %gt3A_553 = arith.cmpf ogt, %slice3A_547, %gt3A_552 : vector<1x128xf32>
    %and3A_554 = arith.andi %lt3A_550, %gt3A_553 : vector<1x128xi1>
    %jit3A_555 = arith.constant -1.000000e+00 : f32
    %broadcast_in_dim3A_556 = vector.broadcast %jit3A_555 : f32 to vector<1x128xf32>
    %select_n3A_557 = arith.select %and3A_554, %slice3A_547, %broadcast_in_dim3A_556 : vector<1x128xi1>, vector<1x128xf32>
    %swap3A_558 = arith.constant 0 : index
    %swap3A_559 = arith.constant 0 : index
    %swap3A_560 = arith.constant 640 : index
    %swap3A_561 = vector.load %arg10[%swap3A_558, %swap3A_559, %swap3A_560] : memref<1x1x1536xf32, #tpu.memory_space<vmem>>, vector<1x1x128xf32>
    %swap3A_562 = vector.shape_cast %swap3A_561 : vector<1x1x128xf32> to vector<1x128xf32>
    %swap3A_563 = vector.shape_cast %select_n3A_557 : vector<1x128xf32> to vector<1x1x128xf32>
    tpu.vector_store %arg10[%swap3A_558, %swap3A_559, %swap3A_560], %swap3A_563 {strides = array<i32>} : memref<1x1x1536xf32, #tpu.memory_space<vmem>>, vector<1x1x128xf32>,
    %get3A_564 = arith.constant 0 : index
    %get3A_565 = arith.constant 0 : index
    %get3A_566 = arith.constant 0 : index
    %get3A_567 = vector.load %arg2[%get3A_564, %get3A_565, %get3A_566] : memref<1x1x1536xf32, #tpu.memory_space<vmem>>, vector<1x1x1536xf32>
    %get3A_568 = vector.shape_cast %get3A_567 : vector<1x1x1536xf32> to vector<1x1536xf32>
    %slice3A_569 = vector.extract_strided_slice %get3A_568 {offsets = [0, 768], sizes = [1, 128], strides = [1, 1]} : vector<1x1536xf32> to vector<1x128xf32>
    %get3A_570 = arith.constant 0 : index
    %get3A_571 = arith.constant 0 : index
    %get3A_572 = arith.constant 0 : index
    %get3A_573 = vector.load %arg3[%get3A_570, %get3A_571, %get3A_572] : memref<1x1x1536xf32, #tpu.memory_space<vmem>>, vector<1x1x1536xf32>
    %get3A_574 = vector.shape_cast %get3A_573 : vector<1x1x1536xf32> to vector<1x1536xf32>
    %slice3A_575 = vector.extract_strided_slice %get3A_574 {offsets = [0, 768], sizes = [1, 128], strides = [1, 1]} : vector<1x1536xf32> to vector<1x128xf32>
    %get3A_576 = arith.constant 0 : index
    %get3A_577 = arith.constant 0 : index
    %get3A_578 = arith.constant 0 : index
    %get3A_579 = vector.load %arg4[%get3A_576, %get3A_577, %get3A_578] : memref<1x1x1536xf32, #tpu.memory_space<vmem>>, vector<1x1x1536xf32>
    %get3A_580 = vector.shape_cast %get3A_579 : vector<1x1x1536xf32> to vector<1x1536xf32>
    %slice3A_581 = vector.extract_strided_slice %get3A_580 {offsets = [0, 768], sizes = [1, 128], strides = [1, 1]} : vector<1x1536xf32> to vector<1x128xf32>
    %get3A_582 = arith.constant 0 : index
    %get3A_583 = arith.constant 0 : index
    %get3A_584 = arith.constant 0 : index
    %get3A_585 = vector.load %arg5[%get3A_582, %get3A_583, %get3A_584] : memref<1x1x1536xf32, #tpu.memory_space<vmem>>, vector<1x1x1536xf32>
    %get3A_586 = vector.shape_cast %get3A_585 : vector<1x1x1536xf32> to vector<1x1536xf32>
    %slice3A_587 = vector.extract_strided_slice %get3A_586 {offsets = [0, 768], sizes = [1, 128], strides = [1, 1]} : vector<1x1536xf32> to vector<1x128xf32>
    %sub3A_588 = arith.subf %slice3A_581, %slice3A_569 : vector<1x128xf32>
    %sub3A_589 = arith.subf %slice3A_587, %slice3A_575 : vector<1x128xf32>
    %mul3A_590 = arith.mulf %sub3A_588, %sub3A_589 : vector<1x128xf32>
    %slice3A_591 = vector.extract_strided_slice %get3A_3 {offsets = [0, 0], sizes = [896, 1], strides = [1, 1]} : vector<1536x1xf32> to vector<896x1xf32>
    %slice3A_592 = vector.extract_strided_slice %get3A_8 {offsets = [0, 0], sizes = [896, 1], strides = [1, 1]} : vector<1536x1xf32> to vector<896x1xf32>
    %slice3A_593 = vector.extract_strided_slice %get3A_13 {offsets = [0, 0], sizes = [896, 1], strides = [1, 1]} : vector<1536x1xf32> to vector<896x1xf32>
    %slice3A_594 = vector.extract_strided_slice %get3A_18 {offsets = [0, 0], sizes = [896, 1], strides = [1, 1]} : vector<1536x1xf32> to vector<896x1xf32>
    %max3A_595 = vector.broadcast %slice3A_591 : vector<896x1xf32> to vector<896x128xf32>
    %max3A_596 = vector.broadcast %slice3A_569 : vector<1x128xf32> to vector<896x128xf32>
    %max3A_597 = arith.maximumf %max3A_595, %max3A_596 : vector<896x128xf32>
    %max3A_598 = vector.broadcast %slice3A_592 : vector<896x1xf32> to vector<896x128xf32>
    %max3A_599 = vector.broadcast %slice3A_575 : vector<1x128xf32> to vector<896x128xf32>
    %max3A_600 = arith.maximumf %max3A_598, %max3A_599 : vector<896x128xf32>
    %min3A_601 = vector.broadcast %slice3A_593 : vector<896x1xf32> to vector<896x128xf32>
    %min3A_602 = vector.broadcast %slice3A_581 : vector<1x128xf32> to vector<896x128xf32>
    %min3A_603 = arith.minimumf %min3A_601, %min3A_602 : vector<896x128xf32>
    %min3A_604 = vector.broadcast %slice3A_594 : vector<896x1xf32> to vector<896x128xf32>
    %min3A_605 = vector.broadcast %slice3A_587 : vector<1x128xf32> to vector<896x128xf32>
    %min3A_606 = arith.minimumf %min3A_604, %min3A_605 : vector<896x128xf32>
    %sub3A_607 = arith.subf %min3A_603, %max3A_597 : vector<896x128xf32>
    %max3A_608 = arith.constant 0.000000e+00 : f32
    %max3A_609 = vector.broadcast %max3A_608 : f32 to vector<896x128xf32>
    %max3A_610 = arith.maximumf %sub3A_607, %max3A_609 : vector<896x128xf32>
    %sub3A_611 = arith.subf %min3A_606, %max3A_600 : vector<896x128xf32>
    %max3A_612 = arith.constant 0.000000e+00 : f32
    %max3A_613 = vector.broadcast %max3A_612 : f32 to vector<896x128xf32>
    %max3A_614 = arith.maximumf %sub3A_611, %max3A_613 : vector<896x128xf32>
    %mul3A_615 = arith.mulf %max3A_610, %max3A_614 : vector<896x128xf32>
    %slice3A_616 = vector.extract_strided_slice %mul3A {offsets = [0, 0], sizes = [896, 1], strides = [1, 1]} : vector<1536x1xf32> to vector<896x1xf32>
    %add3A_617 = vector.broadcast %slice3A_616 : vector<896x1xf32> to vector<896x128xf32>
    %add3A_618 = vector.broadcast %mul3A_590 : vector<1x128xf32> to vector<896x128xf32>
    %add3A_619 = arith.addf %add3A_617, %add3A_618 : vector<896x128xf32>
    %sub3A_620 = arith.subf %add3A_619, %mul3A_615 : vector<896x128xf32>
    %add3A_621 = arith.constant 1.000000e-07 : f32
    %add3A_622 = vector.broadcast %add3A_621 : f32 to vector<896x128xf32>
    %add3A_623 = arith.addf %sub3A_620, %add3A_622 : vector<896x128xf32>
    %div3A_624 = arith.divf %mul3A_615, %add3A_623 : vector<896x128xf32>
    %iota3A_625 = tpu.iota {dimensions = array<i32: 1>} : vector<1x128xi32>
    %add3A_626 = arith.constant 768 : i32
    %add3A_627 = vector.broadcast %add3A_626 : i32 to vector<1x128xi32>
    %add3A_628 = arith.addi %add3A_627, %iota3A_625 : vector<1x128xi32>
    %slice3A_629 = vector.extract_strided_slice %iota3A {offsets = [0, 0], sizes = [896, 1], strides = [1, 1]} : vector<1536x1xi32> to vector<896x1xi32>
    %lt3A_630 = vector.broadcast %slice3A_629 : vector<896x1xi32> to vector<896x128xi32>
    %lt3A_631 = vector.broadcast %add3A_628 : vector<1x128xi32> to vector<896x128xi32>
    %lt3A_632 = arith.cmpi slt, %lt3A_630, %lt3A_631 : vector<896x128xi32>
    %jit3A_633 = arith.constant 0.000000e+00 : f32
    %broadcast_in_dim3A_634 = vector.broadcast %jit3A_633 : f32 to vector<896x128xf32>
    %select_n3A_635 = arith.select %lt3A_632, %div3A_624, %broadcast_in_dim3A_634 : vector<896x128xi1>, vector<896x128xf32>
    %reduce_max3A_636 = arith.constant dense<0xFF800000> : vector<128xf32>
    %reduce_max3A_637 = vector.multi_reduction <maximumf>, %select_n3A_635, %reduce_max3A_636 [0] : vector<896x128xf32> to vector<128xf32>
    %broadcast_in_dim3A_638 = vector.shape_cast %reduce_max3A_637 : vector<128xf32> to vector<1x128xf32>
    %slice3A_639 = vector.extract_strided_slice %get3A_24 {offsets = [0, 768], sizes = [1, 128], strides = [1, 1]} : vector<1x1536xf32> to vector<1x128xf32>
    %lt3A_640 = arith.constant 4.500000e-01 : f32
    %lt3A_641 = vector.broadcast %lt3A_640 : f32 to vector<1x128xf32>
    %lt3A_642 = arith.cmpf olt, %broadcast_in_dim3A_638, %lt3A_641 : vector<1x128xf32>
    %gt3A_643 = arith.constant 2.500000e-01 : f32
    %gt3A_644 = vector.broadcast %gt3A_643 : f32 to vector<1x128xf32>
    %gt3A_645 = arith.cmpf ogt, %slice3A_639, %gt3A_644 : vector<1x128xf32>
    %and3A_646 = arith.andi %lt3A_642, %gt3A_645 : vector<1x128xi1>
    %jit3A_647 = arith.constant -1.000000e+00 : f32
    %broadcast_in_dim3A_648 = vector.broadcast %jit3A_647 : f32 to vector<1x128xf32>
    %select_n3A_649 = arith.select %and3A_646, %slice3A_639, %broadcast_in_dim3A_648 : vector<1x128xi1>, vector<1x128xf32>
    %swap3A_650 = arith.constant 0 : index
    %swap3A_651 = arith.constant 0 : index
    %swap3A_652 = arith.constant 768 : index
    %swap3A_653 = vector.load %arg10[%swap3A_650, %swap3A_651, %swap3A_652] : memref<1x1x1536xf32, #tpu.memory_space<vmem>>, vector<1x1x128xf32>
    %swap3A_654 = vector.shape_cast %swap3A_653 : vector<1x1x128xf32> to vector<1x128xf32>
    %swap3A_655 = vector.shape_cast %select_n3A_649 : vector<1x128xf32> to vector<1x1x128xf32>
    tpu.vector_store %arg10[%swap3A_650, %swap3A_651, %swap3A_652], %swap3A_655 {strides = array<i32>} : memref<1x1x1536xf32, #tpu.memory_space<vmem>>, vector<1x1x128xf32>,
    %get3A_656 = arith.constant 0 : index
    %get3A_657 = arith.constant 0 : index
    %get3A_658 = arith.constant 0 : index
    %get3A_659 = vector.load %arg2[%get3A_656, %get3A_657, %get3A_658] : memref<1x1x1536xf32, #tpu.memory_space<vmem>>, vector<1x1x1536xf32>
    %get3A_660 = vector.shape_cast %get3A_659 : vector<1x1x1536xf32> to vector<1x1536xf32>
    %slice3A_661 = vector.extract_strided_slice %get3A_660 {offsets = [0, 896], sizes = [1, 128], strides = [1, 1]} : vector<1x1536xf32> to vector<1x128xf32>
    %get3A_662 = arith.constant 0 : index
    %get3A_663 = arith.constant 0 : index
    %get3A_664 = arith.constant 0 : index
    %get3A_665 = vector.load %arg3[%get3A_662, %get3A_663, %get3A_664] : memref<1x1x1536xf32, #tpu.memory_space<vmem>>, vector<1x1x1536xf32>
    %get3A_666 = vector.shape_cast %get3A_665 : vector<1x1x1536xf32> to vector<1x1536xf32>
    %slice3A_667 = vector.extract_strided_slice %get3A_666 {offsets = [0, 896], sizes = [1, 128], strides = [1, 1]} : vector<1x1536xf32> to vector<1x128xf32>
    %get3A_668 = arith.constant 0 : index
    %get3A_669 = arith.constant 0 : index
    %get3A_670 = arith.constant 0 : index
    %get3A_671 = vector.load %arg4[%get3A_668, %get3A_669, %get3A_670] : memref<1x1x1536xf32, #tpu.memory_space<vmem>>, vector<1x1x1536xf32>
    %get3A_672 = vector.shape_cast %get3A_671 : vector<1x1x1536xf32> to vector<1x1536xf32>
    %slice3A_673 = vector.extract_strided_slice %get3A_672 {offsets = [0, 896], sizes = [1, 128], strides = [1, 1]} : vector<1x1536xf32> to vector<1x128xf32>
    %get3A_674 = arith.constant 0 : index
    %get3A_675 = arith.constant 0 : index
    %get3A_676 = arith.constant 0 : index
    %get3A_677 = vector.load %arg5[%get3A_674, %get3A_675, %get3A_676] : memref<1x1x1536xf32, #tpu.memory_space<vmem>>, vector<1x1x1536xf32>
    %get3A_678 = vector.shape_cast %get3A_677 : vector<1x1x1536xf32> to vector<1x1536xf32>
    %slice3A_679 = vector.extract_strided_slice %get3A_678 {offsets = [0, 896], sizes = [1, 128], strides = [1, 1]} : vector<1x1536xf32> to vector<1x128xf32>
    %sub3A_680 = arith.subf %slice3A_673, %slice3A_661 : vector<1x128xf32>
    %sub3A_681 = arith.subf %slice3A_679, %slice3A_667 : vector<1x128xf32>
    %mul3A_682 = arith.mulf %sub3A_680, %sub3A_681 : vector<1x128xf32>
    %slice3A_683 = vector.extract_strided_slice %get3A_3 {offsets = [0, 0], sizes = [1024, 1], strides = [1, 1]} : vector<1536x1xf32> to vector<1024x1xf32>
    %slice3A_684 = vector.extract_strided_slice %get3A_8 {offsets = [0, 0], sizes = [1024, 1], strides = [1, 1]} : vector<1536x1xf32> to vector<1024x1xf32>
    %slice3A_685 = vector.extract_strided_slice %get3A_13 {offsets = [0, 0], sizes = [1024, 1], strides = [1, 1]} : vector<1536x1xf32> to vector<1024x1xf32>
    %slice3A_686 = vector.extract_strided_slice %get3A_18 {offsets = [0, 0], sizes = [1024, 1], strides = [1, 1]} : vector<1536x1xf32> to vector<1024x1xf32>
    %max3A_687 = vector.broadcast %slice3A_683 : vector<1024x1xf32> to vector<1024x128xf32>
    %max3A_688 = vector.broadcast %slice3A_661 : vector<1x128xf32> to vector<1024x128xf32>
    %max3A_689 = arith.maximumf %max3A_687, %max3A_688 : vector<1024x128xf32>
    %max3A_690 = vector.broadcast %slice3A_684 : vector<1024x1xf32> to vector<1024x128xf32>
    %max3A_691 = vector.broadcast %slice3A_667 : vector<1x128xf32> to vector<1024x128xf32>
    %max3A_692 = arith.maximumf %max3A_690, %max3A_691 : vector<1024x128xf32>
    %min3A_693 = vector.broadcast %slice3A_685 : vector<1024x1xf32> to vector<1024x128xf32>
    %min3A_694 = vector.broadcast %slice3A_673 : vector<1x128xf32> to vector<1024x128xf32>
    %min3A_695 = arith.minimumf %min3A_693, %min3A_694 : vector<1024x128xf32>
    %min3A_696 = vector.broadcast %slice3A_686 : vector<1024x1xf32> to vector<1024x128xf32>
    %min3A_697 = vector.broadcast %slice3A_679 : vector<1x128xf32> to vector<1024x128xf32>
    %min3A_698 = arith.minimumf %min3A_696, %min3A_697 : vector<1024x128xf32>
    %sub3A_699 = arith.subf %min3A_695, %max3A_689 : vector<1024x128xf32>
    %max3A_700 = arith.constant 0.000000e+00 : f32
    %max3A_701 = vector.broadcast %max3A_700 : f32 to vector<1024x128xf32>
    %max3A_702 = arith.maximumf %sub3A_699, %max3A_701 : vector<1024x128xf32>
    %sub3A_703 = arith.subf %min3A_698, %max3A_692 : vector<1024x128xf32>
    %max3A_704 = arith.constant 0.000000e+00 : f32
    %max3A_705 = vector.broadcast %max3A_704 : f32 to vector<1024x128xf32>
    %max3A_706 = arith.maximumf %sub3A_703, %max3A_705 : vector<1024x128xf32>
    %mul3A_707 = arith.mulf %max3A_702, %max3A_706 : vector<1024x128xf32>
    %slice3A_708 = vector.extract_strided_slice %mul3A {offsets = [0, 0], sizes = [1024, 1], strides = [1, 1]} : vector<1536x1xf32> to vector<1024x1xf32>
    %add3A_709 = vector.broadcast %slice3A_708 : vector<1024x1xf32> to vector<1024x128xf32>
    %add3A_710 = vector.broadcast %mul3A_682 : vector<1x128xf32> to vector<1024x128xf32>
    %add3A_711 = arith.addf %add3A_709, %add3A_710 : vector<1024x128xf32>
    %sub3A_712 = arith.subf %add3A_711, %mul3A_707 : vector<1024x128xf32>
    %add3A_713 = arith.constant 1.000000e-07 : f32
    %add3A_714 = vector.broadcast %add3A_713 : f32 to vector<1024x128xf32>
    %add3A_715 = arith.addf %sub3A_712, %add3A_714 : vector<1024x128xf32>
    %div3A_716 = arith.divf %mul3A_707, %add3A_715 : vector<1024x128xf32>
    %iota3A_717 = tpu.iota {dimensions = array<i32: 1>} : vector<1x128xi32>
    %add3A_718 = arith.constant 896 : i32
    %add3A_719 = vector.broadcast %add3A_718 : i32 to vector<1x128xi32>
    %add3A_720 = arith.addi %add3A_719, %iota3A_717 : vector<1x128xi32>
    %slice3A_721 = vector.extract_strided_slice %iota3A {offsets = [0, 0], sizes = [1024, 1], strides = [1, 1]} : vector<1536x1xi32> to vector<1024x1xi32>
    %lt3A_722 = vector.broadcast %slice3A_721 : vector<1024x1xi32> to vector<1024x128xi32>
    %lt3A_723 = vector.broadcast %add3A_720 : vector<1x128xi32> to vector<1024x128xi32>
    %lt3A_724 = arith.cmpi slt, %lt3A_722, %lt3A_723 : vector<1024x128xi32>
    %jit3A_725 = arith.constant 0.000000e+00 : f32
    %broadcast_in_dim3A_726 = vector.broadcast %jit3A_725 : f32 to vector<1024x128xf32>
    %select_n3A_727 = arith.select %lt3A_724, %div3A_716, %broadcast_in_dim3A_726 : vector<1024x128xi1>, vector<1024x128xf32>
    %reduce_max3A_728 = arith.constant dense<0xFF800000> : vector<128xf32>
    %reduce_max3A_729 = vector.multi_reduction <maximumf>, %select_n3A_727, %reduce_max3A_728 [0] : vector<1024x128xf32> to vector<128xf32>
    %broadcast_in_dim3A_730 = vector.shape_cast %reduce_max3A_729 : vector<128xf32> to vector<1x128xf32>
    %slice3A_731 = vector.extract_strided_slice %get3A_24 {offsets = [0, 896], sizes = [1, 128], strides = [1, 1]} : vector<1x1536xf32> to vector<1x128xf32>
    %lt3A_732 = arith.constant 4.500000e-01 : f32
    %lt3A_733 = vector.broadcast %lt3A_732 : f32 to vector<1x128xf32>
    %lt3A_734 = arith.cmpf olt, %broadcast_in_dim3A_730, %lt3A_733 : vector<1x128xf32>
    %gt3A_735 = arith.constant 2.500000e-01 : f32
    %gt3A_736 = vector.broadcast %gt3A_735 : f32 to vector<1x128xf32>
    %gt3A_737 = arith.cmpf ogt, %slice3A_731, %gt3A_736 : vector<1x128xf32>
    %and3A_738 = arith.andi %lt3A_734, %gt3A_737 : vector<1x128xi1>
    %jit3A_739 = arith.constant -1.000000e+00 : f32
    %broadcast_in_dim3A_740 = vector.broadcast %jit3A_739 : f32 to vector<1x128xf32>
    %select_n3A_741 = arith.select %and3A_738, %slice3A_731, %broadcast_in_dim3A_740 : vector<1x128xi1>, vector<1x128xf32>
    %swap3A_742 = arith.constant 0 : index
    %swap3A_743 = arith.constant 0 : index
    %swap3A_744 = arith.constant 896 : index
    %swap3A_745 = vector.load %arg10[%swap3A_742, %swap3A_743, %swap3A_744] : memref<1x1x1536xf32, #tpu.memory_space<vmem>>, vector<1x1x128xf32>
    %swap3A_746 = vector.shape_cast %swap3A_745 : vector<1x1x128xf32> to vector<1x128xf32>
    %swap3A_747 = vector.shape_cast %select_n3A_741 : vector<1x128xf32> to vector<1x1x128xf32>
    tpu.vector_store %arg10[%swap3A_742, %swap3A_743, %swap3A_744], %swap3A_747 {strides = array<i32>} : memref<1x1x1536xf32, #tpu.memory_space<vmem>>, vector<1x1x128xf32>,
    %get3A_748 = arith.constant 0 : index
    %get3A_749 = arith.constant 0 : index
    %get3A_750 = arith.constant 0 : index
    %get3A_751 = vector.load %arg2[%get3A_748, %get3A_749, %get3A_750] : memref<1x1x1536xf32, #tpu.memory_space<vmem>>, vector<1x1x1536xf32>
    %get3A_752 = vector.shape_cast %get3A_751 : vector<1x1x1536xf32> to vector<1x1536xf32>
    %slice3A_753 = vector.extract_strided_slice %get3A_752 {offsets = [0, 1024], sizes = [1, 128], strides = [1, 1]} : vector<1x1536xf32> to vector<1x128xf32>
    %get3A_754 = arith.constant 0 : index
    %get3A_755 = arith.constant 0 : index
    %get3A_756 = arith.constant 0 : index
    %get3A_757 = vector.load %arg3[%get3A_754, %get3A_755, %get3A_756] : memref<1x1x1536xf32, #tpu.memory_space<vmem>>, vector<1x1x1536xf32>
    %get3A_758 = vector.shape_cast %get3A_757 : vector<1x1x1536xf32> to vector<1x1536xf32>
    %slice3A_759 = vector.extract_strided_slice %get3A_758 {offsets = [0, 1024], sizes = [1, 128], strides = [1, 1]} : vector<1x1536xf32> to vector<1x128xf32>
    %get3A_760 = arith.constant 0 : index
    %get3A_761 = arith.constant 0 : index
    %get3A_762 = arith.constant 0 : index
    %get3A_763 = vector.load %arg4[%get3A_760, %get3A_761, %get3A_762] : memref<1x1x1536xf32, #tpu.memory_space<vmem>>, vector<1x1x1536xf32>
    %get3A_764 = vector.shape_cast %get3A_763 : vector<1x1x1536xf32> to vector<1x1536xf32>
    %slice3A_765 = vector.extract_strided_slice %get3A_764 {offsets = [0, 1024], sizes = [1, 128], strides = [1, 1]} : vector<1x1536xf32> to vector<1x128xf32>
    %get3A_766 = arith.constant 0 : index
    %get3A_767 = arith.constant 0 : index
    %get3A_768 = arith.constant 0 : index
    %get3A_769 = vector.load %arg5[%get3A_766, %get3A_767, %get3A_768] : memref<1x1x1536xf32, #tpu.memory_space<vmem>>, vector<1x1x1536xf32>
    %get3A_770 = vector.shape_cast %get3A_769 : vector<1x1x1536xf32> to vector<1x1536xf32>
    %slice3A_771 = vector.extract_strided_slice %get3A_770 {offsets = [0, 1024], sizes = [1, 128], strides = [1, 1]} : vector<1x1536xf32> to vector<1x128xf32>
    %sub3A_772 = arith.subf %slice3A_765, %slice3A_753 : vector<1x128xf32>
    %sub3A_773 = arith.subf %slice3A_771, %slice3A_759 : vector<1x128xf32>
    %mul3A_774 = arith.mulf %sub3A_772, %sub3A_773 : vector<1x128xf32>
    %slice3A_775 = vector.extract_strided_slice %get3A_3 {offsets = [0, 0], sizes = [1152, 1], strides = [1, 1]} : vector<1536x1xf32> to vector<1152x1xf32>
    %slice3A_776 = vector.extract_strided_slice %get3A_8 {offsets = [0, 0], sizes = [1152, 1], strides = [1, 1]} : vector<1536x1xf32> to vector<1152x1xf32>
    %slice3A_777 = vector.extract_strided_slice %get3A_13 {offsets = [0, 0], sizes = [1152, 1], strides = [1, 1]} : vector<1536x1xf32> to vector<1152x1xf32>
    %slice3A_778 = vector.extract_strided_slice %get3A_18 {offsets = [0, 0], sizes = [1152, 1], strides = [1, 1]} : vector<1536x1xf32> to vector<1152x1xf32>
    %max3A_779 = vector.broadcast %slice3A_775 : vector<1152x1xf32> to vector<1152x128xf32>
    %max3A_780 = vector.broadcast %slice3A_753 : vector<1x128xf32> to vector<1152x128xf32>
    %max3A_781 = arith.maximumf %max3A_779, %max3A_780 : vector<1152x128xf32>
    %max3A_782 = vector.broadcast %slice3A_776 : vector<1152x1xf32> to vector<1152x128xf32>
    %max3A_783 = vector.broadcast %slice3A_759 : vector<1x128xf32> to vector<1152x128xf32>
    %max3A_784 = arith.maximumf %max3A_782, %max3A_783 : vector<1152x128xf32>
    %min3A_785 = vector.broadcast %slice3A_777 : vector<1152x1xf32> to vector<1152x128xf32>
    %min3A_786 = vector.broadcast %slice3A_765 : vector<1x128xf32> to vector<1152x128xf32>
    %min3A_787 = arith.minimumf %min3A_785, %min3A_786 : vector<1152x128xf32>
    %min3A_788 = vector.broadcast %slice3A_778 : vector<1152x1xf32> to vector<1152x128xf32>
    %min3A_789 = vector.broadcast %slice3A_771 : vector<1x128xf32> to vector<1152x128xf32>
    %min3A_790 = arith.minimumf %min3A_788, %min3A_789 : vector<1152x128xf32>
    %sub3A_791 = arith.subf %min3A_787, %max3A_781 : vector<1152x128xf32>
    %max3A_792 = arith.constant 0.000000e+00 : f32
    %max3A_793 = vector.broadcast %max3A_792 : f32 to vector<1152x128xf32>
    %max3A_794 = arith.maximumf %sub3A_791, %max3A_793 : vector<1152x128xf32>
    %sub3A_795 = arith.subf %min3A_790, %max3A_784 : vector<1152x128xf32>
    %max3A_796 = arith.constant 0.000000e+00 : f32
    %max3A_797 = vector.broadcast %max3A_796 : f32 to vector<1152x128xf32>
    %max3A_798 = arith.maximumf %sub3A_795, %max3A_797 : vector<1152x128xf32>
    %mul3A_799 = arith.mulf %max3A_794, %max3A_798 : vector<1152x128xf32>
    %slice3A_800 = vector.extract_strided_slice %mul3A {offsets = [0, 0], sizes = [1152, 1], strides = [1, 1]} : vector<1536x1xf32> to vector<1152x1xf32>
    %add3A_801 = vector.broadcast %slice3A_800 : vector<1152x1xf32> to vector<1152x128xf32>
    %add3A_802 = vector.broadcast %mul3A_774 : vector<1x128xf32> to vector<1152x128xf32>
    %add3A_803 = arith.addf %add3A_801, %add3A_802 : vector<1152x128xf32>
    %sub3A_804 = arith.subf %add3A_803, %mul3A_799 : vector<1152x128xf32>
    %add3A_805 = arith.constant 1.000000e-07 : f32
    %add3A_806 = vector.broadcast %add3A_805 : f32 to vector<1152x128xf32>
    %add3A_807 = arith.addf %sub3A_804, %add3A_806 : vector<1152x128xf32>
    %div3A_808 = arith.divf %mul3A_799, %add3A_807 : vector<1152x128xf32>
    %iota3A_809 = tpu.iota {dimensions = array<i32: 1>} : vector<1x128xi32>
    %add3A_810 = arith.constant 1024 : i32
    %add3A_811 = vector.broadcast %add3A_810 : i32 to vector<1x128xi32>
    %add3A_812 = arith.addi %add3A_811, %iota3A_809 : vector<1x128xi32>
    %slice3A_813 = vector.extract_strided_slice %iota3A {offsets = [0, 0], sizes = [1152, 1], strides = [1, 1]} : vector<1536x1xi32> to vector<1152x1xi32>
    %lt3A_814 = vector.broadcast %slice3A_813 : vector<1152x1xi32> to vector<1152x128xi32>
    %lt3A_815 = vector.broadcast %add3A_812 : vector<1x128xi32> to vector<1152x128xi32>
    %lt3A_816 = arith.cmpi slt, %lt3A_814, %lt3A_815 : vector<1152x128xi32>
    %jit3A_817 = arith.constant 0.000000e+00 : f32
    %broadcast_in_dim3A_818 = vector.broadcast %jit3A_817 : f32 to vector<1152x128xf32>
    %select_n3A_819 = arith.select %lt3A_816, %div3A_808, %broadcast_in_dim3A_818 : vector<1152x128xi1>, vector<1152x128xf32>
    %reduce_max3A_820 = arith.constant dense<0xFF800000> : vector<128xf32>
    %reduce_max3A_821 = vector.multi_reduction <maximumf>, %select_n3A_819, %reduce_max3A_820 [0] : vector<1152x128xf32> to vector<128xf32>
    %broadcast_in_dim3A_822 = vector.shape_cast %reduce_max3A_821 : vector<128xf32> to vector<1x128xf32>
    %slice3A_823 = vector.extract_strided_slice %get3A_24 {offsets = [0, 1024], sizes = [1, 128], strides = [1, 1]} : vector<1x1536xf32> to vector<1x128xf32>
    %lt3A_824 = arith.constant 4.500000e-01 : f32
    %lt3A_825 = vector.broadcast %lt3A_824 : f32 to vector<1x128xf32>
    %lt3A_826 = arith.cmpf olt, %broadcast_in_dim3A_822, %lt3A_825 : vector<1x128xf32>
    %gt3A_827 = arith.constant 2.500000e-01 : f32
    %gt3A_828 = vector.broadcast %gt3A_827 : f32 to vector<1x128xf32>
    %gt3A_829 = arith.cmpf ogt, %slice3A_823, %gt3A_828 : vector<1x128xf32>
    %and3A_830 = arith.andi %lt3A_826, %gt3A_829 : vector<1x128xi1>
    %jit3A_831 = arith.constant -1.000000e+00 : f32
    %broadcast_in_dim3A_832 = vector.broadcast %jit3A_831 : f32 to vector<1x128xf32>
    %select_n3A_833 = arith.select %and3A_830, %slice3A_823, %broadcast_in_dim3A_832 : vector<1x128xi1>, vector<1x128xf32>
    %swap3A_834 = arith.constant 0 : index
    %swap3A_835 = arith.constant 0 : index
    %swap3A_836 = arith.constant 1024 : index
    %swap3A_837 = vector.load %arg10[%swap3A_834, %swap3A_835, %swap3A_836] : memref<1x1x1536xf32, #tpu.memory_space<vmem>>, vector<1x1x128xf32>
    %swap3A_838 = vector.shape_cast %swap3A_837 : vector<1x1x128xf32> to vector<1x128xf32>
    %swap3A_839 = vector.shape_cast %select_n3A_833 : vector<1x128xf32> to vector<1x1x128xf32>
    tpu.vector_store %arg10[%swap3A_834, %swap3A_835, %swap3A_836], %swap3A_839 {strides = array<i32>} : memref<1x1x1536xf32, #tpu.memory_space<vmem>>, vector<1x1x128xf32>,
    %get3A_840 = arith.constant 0 : index
    %get3A_841 = arith.constant 0 : index
    %get3A_842 = arith.constant 0 : index
    %get3A_843 = vector.load %arg2[%get3A_840, %get3A_841, %get3A_842] : memref<1x1x1536xf32, #tpu.memory_space<vmem>>, vector<1x1x1536xf32>
    %get3A_844 = vector.shape_cast %get3A_843 : vector<1x1x1536xf32> to vector<1x1536xf32>
    %slice3A_845 = vector.extract_strided_slice %get3A_844 {offsets = [0, 1152], sizes = [1, 128], strides = [1, 1]} : vector<1x1536xf32> to vector<1x128xf32>
    %get3A_846 = arith.constant 0 : index
    %get3A_847 = arith.constant 0 : index
    %get3A_848 = arith.constant 0 : index
    %get3A_849 = vector.load %arg3[%get3A_846, %get3A_847, %get3A_848] : memref<1x1x1536xf32, #tpu.memory_space<vmem>>, vector<1x1x1536xf32>
    %get3A_850 = vector.shape_cast %get3A_849 : vector<1x1x1536xf32> to vector<1x1536xf32>
    %slice3A_851 = vector.extract_strided_slice %get3A_850 {offsets = [0, 1152], sizes = [1, 128], strides = [1, 1]} : vector<1x1536xf32> to vector<1x128xf32>
    %get3A_852 = arith.constant 0 : index
    %get3A_853 = arith.constant 0 : index
    %get3A_854 = arith.constant 0 : index
    %get3A_855 = vector.load %arg4[%get3A_852, %get3A_853, %get3A_854] : memref<1x1x1536xf32, #tpu.memory_space<vmem>>, vector<1x1x1536xf32>
    %get3A_856 = vector.shape_cast %get3A_855 : vector<1x1x1536xf32> to vector<1x1536xf32>
    %slice3A_857 = vector.extract_strided_slice %get3A_856 {offsets = [0, 1152], sizes = [1, 128], strides = [1, 1]} : vector<1x1536xf32> to vector<1x128xf32>
    %get3A_858 = arith.constant 0 : index
    %get3A_859 = arith.constant 0 : index
    %get3A_860 = arith.constant 0 : index
    %get3A_861 = vector.load %arg5[%get3A_858, %get3A_859, %get3A_860] : memref<1x1x1536xf32, #tpu.memory_space<vmem>>, vector<1x1x1536xf32>
    %get3A_862 = vector.shape_cast %get3A_861 : vector<1x1x1536xf32> to vector<1x1536xf32>
    %slice3A_863 = vector.extract_strided_slice %get3A_862 {offsets = [0, 1152], sizes = [1, 128], strides = [1, 1]} : vector<1x1536xf32> to vector<1x128xf32>
    %sub3A_864 = arith.subf %slice3A_857, %slice3A_845 : vector<1x128xf32>
    %sub3A_865 = arith.subf %slice3A_863, %slice3A_851 : vector<1x128xf32>
    %mul3A_866 = arith.mulf %sub3A_864, %sub3A_865 : vector<1x128xf32>
    %slice3A_867 = vector.extract_strided_slice %get3A_3 {offsets = [0, 0], sizes = [1280, 1], strides = [1, 1]} : vector<1536x1xf32> to vector<1280x1xf32>
    %slice3A_868 = vector.extract_strided_slice %get3A_8 {offsets = [0, 0], sizes = [1280, 1], strides = [1, 1]} : vector<1536x1xf32> to vector<1280x1xf32>
    %slice3A_869 = vector.extract_strided_slice %get3A_13 {offsets = [0, 0], sizes = [1280, 1], strides = [1, 1]} : vector<1536x1xf32> to vector<1280x1xf32>
    %slice3A_870 = vector.extract_strided_slice %get3A_18 {offsets = [0, 0], sizes = [1280, 1], strides = [1, 1]} : vector<1536x1xf32> to vector<1280x1xf32>
    %max3A_871 = vector.broadcast %slice3A_867 : vector<1280x1xf32> to vector<1280x128xf32>
    %max3A_872 = vector.broadcast %slice3A_845 : vector<1x128xf32> to vector<1280x128xf32>
    %max3A_873 = arith.maximumf %max3A_871, %max3A_872 : vector<1280x128xf32>
    %max3A_874 = vector.broadcast %slice3A_868 : vector<1280x1xf32> to vector<1280x128xf32>
    %max3A_875 = vector.broadcast %slice3A_851 : vector<1x128xf32> to vector<1280x128xf32>
    %max3A_876 = arith.maximumf %max3A_874, %max3A_875 : vector<1280x128xf32>
    %min3A_877 = vector.broadcast %slice3A_869 : vector<1280x1xf32> to vector<1280x128xf32>
    %min3A_878 = vector.broadcast %slice3A_857 : vector<1x128xf32> to vector<1280x128xf32>
    %min3A_879 = arith.minimumf %min3A_877, %min3A_878 : vector<1280x128xf32>
    %min3A_880 = vector.broadcast %slice3A_870 : vector<1280x1xf32> to vector<1280x128xf32>
    %min3A_881 = vector.broadcast %slice3A_863 : vector<1x128xf32> to vector<1280x128xf32>
    %min3A_882 = arith.minimumf %min3A_880, %min3A_881 : vector<1280x128xf32>
    %sub3A_883 = arith.subf %min3A_879, %max3A_873 : vector<1280x128xf32>
    %max3A_884 = arith.constant 0.000000e+00 : f32
    %max3A_885 = vector.broadcast %max3A_884 : f32 to vector<1280x128xf32>
    %max3A_886 = arith.maximumf %sub3A_883, %max3A_885 : vector<1280x128xf32>
    %sub3A_887 = arith.subf %min3A_882, %max3A_876 : vector<1280x128xf32>
    %max3A_888 = arith.constant 0.000000e+00 : f32
    %max3A_889 = vector.broadcast %max3A_888 : f32 to vector<1280x128xf32>
    %max3A_890 = arith.maximumf %sub3A_887, %max3A_889 : vector<1280x128xf32>
    %mul3A_891 = arith.mulf %max3A_886, %max3A_890 : vector<1280x128xf32>
    %slice3A_892 = vector.extract_strided_slice %mul3A {offsets = [0, 0], sizes = [1280, 1], strides = [1, 1]} : vector<1536x1xf32> to vector<1280x1xf32>
    %add3A_893 = vector.broadcast %slice3A_892 : vector<1280x1xf32> to vector<1280x128xf32>
    %add3A_894 = vector.broadcast %mul3A_866 : vector<1x128xf32> to vector<1280x128xf32>
    %add3A_895 = arith.addf %add3A_893, %add3A_894 : vector<1280x128xf32>
    %sub3A_896 = arith.subf %add3A_895, %mul3A_891 : vector<1280x128xf32>
    %add3A_897 = arith.constant 1.000000e-07 : f32
    %add3A_898 = vector.broadcast %add3A_897 : f32 to vector<1280x128xf32>
    %add3A_899 = arith.addf %sub3A_896, %add3A_898 : vector<1280x128xf32>
    %div3A_900 = arith.divf %mul3A_891, %add3A_899 : vector<1280x128xf32>
    %iota3A_901 = tpu.iota {dimensions = array<i32: 1>} : vector<1x128xi32>
    %add3A_902 = arith.constant 1152 : i32
    %add3A_903 = vector.broadcast %add3A_902 : i32 to vector<1x128xi32>
    %add3A_904 = arith.addi %add3A_903, %iota3A_901 : vector<1x128xi32>
    %slice3A_905 = vector.extract_strided_slice %iota3A {offsets = [0, 0], sizes = [1280, 1], strides = [1, 1]} : vector<1536x1xi32> to vector<1280x1xi32>
    %lt3A_906 = vector.broadcast %slice3A_905 : vector<1280x1xi32> to vector<1280x128xi32>
    %lt3A_907 = vector.broadcast %add3A_904 : vector<1x128xi32> to vector<1280x128xi32>
    %lt3A_908 = arith.cmpi slt, %lt3A_906, %lt3A_907 : vector<1280x128xi32>
    %jit3A_909 = arith.constant 0.000000e+00 : f32
    %broadcast_in_dim3A_910 = vector.broadcast %jit3A_909 : f32 to vector<1280x128xf32>
    %select_n3A_911 = arith.select %lt3A_908, %div3A_900, %broadcast_in_dim3A_910 : vector<1280x128xi1>, vector<1280x128xf32>
    %reduce_max3A_912 = arith.constant dense<0xFF800000> : vector<128xf32>
    %reduce_max3A_913 = vector.multi_reduction <maximumf>, %select_n3A_911, %reduce_max3A_912 [0] : vector<1280x128xf32> to vector<128xf32>
    %broadcast_in_dim3A_914 = vector.shape_cast %reduce_max3A_913 : vector<128xf32> to vector<1x128xf32>
    %slice3A_915 = vector.extract_strided_slice %get3A_24 {offsets = [0, 1152], sizes = [1, 128], strides = [1, 1]} : vector<1x1536xf32> to vector<1x128xf32>
    %lt3A_916 = arith.constant 4.500000e-01 : f32
    %lt3A_917 = vector.broadcast %lt3A_916 : f32 to vector<1x128xf32>
    %lt3A_918 = arith.cmpf olt, %broadcast_in_dim3A_914, %lt3A_917 : vector<1x128xf32>
    %gt3A_919 = arith.constant 2.500000e-01 : f32
    %gt3A_920 = vector.broadcast %gt3A_919 : f32 to vector<1x128xf32>
    %gt3A_921 = arith.cmpf ogt, %slice3A_915, %gt3A_920 : vector<1x128xf32>
    %and3A_922 = arith.andi %lt3A_918, %gt3A_921 : vector<1x128xi1>
    %jit3A_923 = arith.constant -1.000000e+00 : f32
    %broadcast_in_dim3A_924 = vector.broadcast %jit3A_923 : f32 to vector<1x128xf32>
    %select_n3A_925 = arith.select %and3A_922, %slice3A_915, %broadcast_in_dim3A_924 : vector<1x128xi1>, vector<1x128xf32>
    %swap3A_926 = arith.constant 0 : index
    %swap3A_927 = arith.constant 0 : index
    %swap3A_928 = arith.constant 1152 : index
    %swap3A_929 = vector.load %arg10[%swap3A_926, %swap3A_927, %swap3A_928] : memref<1x1x1536xf32, #tpu.memory_space<vmem>>, vector<1x1x128xf32>
    %swap3A_930 = vector.shape_cast %swap3A_929 : vector<1x1x128xf32> to vector<1x128xf32>
    %swap3A_931 = vector.shape_cast %select_n3A_925 : vector<1x128xf32> to vector<1x1x128xf32>
    tpu.vector_store %arg10[%swap3A_926, %swap3A_927, %swap3A_928], %swap3A_931 {strides = array<i32>} : memref<1x1x1536xf32, #tpu.memory_space<vmem>>, vector<1x1x128xf32>,
    %get3A_932 = arith.constant 0 : index
    %get3A_933 = arith.constant 0 : index
    %get3A_934 = arith.constant 0 : index
    %get3A_935 = vector.load %arg2[%get3A_932, %get3A_933, %get3A_934] : memref<1x1x1536xf32, #tpu.memory_space<vmem>>, vector<1x1x1536xf32>
    %get3A_936 = vector.shape_cast %get3A_935 : vector<1x1x1536xf32> to vector<1x1536xf32>
    %slice3A_937 = vector.extract_strided_slice %get3A_936 {offsets = [0, 1280], sizes = [1, 128], strides = [1, 1]} : vector<1x1536xf32> to vector<1x128xf32>
    %get3A_938 = arith.constant 0 : index
    %get3A_939 = arith.constant 0 : index
    %get3A_940 = arith.constant 0 : index
    %get3A_941 = vector.load %arg3[%get3A_938, %get3A_939, %get3A_940] : memref<1x1x1536xf32, #tpu.memory_space<vmem>>, vector<1x1x1536xf32>
    %get3A_942 = vector.shape_cast %get3A_941 : vector<1x1x1536xf32> to vector<1x1536xf32>
    %slice3A_943 = vector.extract_strided_slice %get3A_942 {offsets = [0, 1280], sizes = [1, 128], strides = [1, 1]} : vector<1x1536xf32> to vector<1x128xf32>
    %get3A_944 = arith.constant 0 : index
    %get3A_945 = arith.constant 0 : index
    %get3A_946 = arith.constant 0 : index
    %get3A_947 = vector.load %arg4[%get3A_944, %get3A_945, %get3A_946] : memref<1x1x1536xf32, #tpu.memory_space<vmem>>, vector<1x1x1536xf32>
    %get3A_948 = vector.shape_cast %get3A_947 : vector<1x1x1536xf32> to vector<1x1536xf32>
    %slice3A_949 = vector.extract_strided_slice %get3A_948 {offsets = [0, 1280], sizes = [1, 128], strides = [1, 1]} : vector<1x1536xf32> to vector<1x128xf32>
    %get3A_950 = arith.constant 0 : index
    %get3A_951 = arith.constant 0 : index
    %get3A_952 = arith.constant 0 : index
    %get3A_953 = vector.load %arg5[%get3A_950, %get3A_951, %get3A_952] : memref<1x1x1536xf32, #tpu.memory_space<vmem>>, vector<1x1x1536xf32>
    %get3A_954 = vector.shape_cast %get3A_953 : vector<1x1x1536xf32> to vector<1x1536xf32>
    %slice3A_955 = vector.extract_strided_slice %get3A_954 {offsets = [0, 1280], sizes = [1, 128], strides = [1, 1]} : vector<1x1536xf32> to vector<1x128xf32>
    %sub3A_956 = arith.subf %slice3A_949, %slice3A_937 : vector<1x128xf32>
    %sub3A_957 = arith.subf %slice3A_955, %slice3A_943 : vector<1x128xf32>
    %mul3A_958 = arith.mulf %sub3A_956, %sub3A_957 : vector<1x128xf32>
    %slice3A_959 = vector.extract_strided_slice %get3A_3 {offsets = [0, 0], sizes = [1408, 1], strides = [1, 1]} : vector<1536x1xf32> to vector<1408x1xf32>
    %slice3A_960 = vector.extract_strided_slice %get3A_8 {offsets = [0, 0], sizes = [1408, 1], strides = [1, 1]} : vector<1536x1xf32> to vector<1408x1xf32>
    %slice3A_961 = vector.extract_strided_slice %get3A_13 {offsets = [0, 0], sizes = [1408, 1], strides = [1, 1]} : vector<1536x1xf32> to vector<1408x1xf32>
    %slice3A_962 = vector.extract_strided_slice %get3A_18 {offsets = [0, 0], sizes = [1408, 1], strides = [1, 1]} : vector<1536x1xf32> to vector<1408x1xf32>
    %max3A_963 = vector.broadcast %slice3A_959 : vector<1408x1xf32> to vector<1408x128xf32>
    %max3A_964 = vector.broadcast %slice3A_937 : vector<1x128xf32> to vector<1408x128xf32>
    %max3A_965 = arith.maximumf %max3A_963, %max3A_964 : vector<1408x128xf32>
    %max3A_966 = vector.broadcast %slice3A_960 : vector<1408x1xf32> to vector<1408x128xf32>
    %max3A_967 = vector.broadcast %slice3A_943 : vector<1x128xf32> to vector<1408x128xf32>
    %max3A_968 = arith.maximumf %max3A_966, %max3A_967 : vector<1408x128xf32>
    %min3A_969 = vector.broadcast %slice3A_961 : vector<1408x1xf32> to vector<1408x128xf32>
    %min3A_970 = vector.broadcast %slice3A_949 : vector<1x128xf32> to vector<1408x128xf32>
    %min3A_971 = arith.minimumf %min3A_969, %min3A_970 : vector<1408x128xf32>
    %min3A_972 = vector.broadcast %slice3A_962 : vector<1408x1xf32> to vector<1408x128xf32>
    %min3A_973 = vector.broadcast %slice3A_955 : vector<1x128xf32> to vector<1408x128xf32>
    %min3A_974 = arith.minimumf %min3A_972, %min3A_973 : vector<1408x128xf32>
    %sub3A_975 = arith.subf %min3A_971, %max3A_965 : vector<1408x128xf32>
    %max3A_976 = arith.constant 0.000000e+00 : f32
    %max3A_977 = vector.broadcast %max3A_976 : f32 to vector<1408x128xf32>
    %max3A_978 = arith.maximumf %sub3A_975, %max3A_977 : vector<1408x128xf32>
    %sub3A_979 = arith.subf %min3A_974, %max3A_968 : vector<1408x128xf32>
    %max3A_980 = arith.constant 0.000000e+00 : f32
    %max3A_981 = vector.broadcast %max3A_980 : f32 to vector<1408x128xf32>
    %max3A_982 = arith.maximumf %sub3A_979, %max3A_981 : vector<1408x128xf32>
    %mul3A_983 = arith.mulf %max3A_978, %max3A_982 : vector<1408x128xf32>
    %slice3A_984 = vector.extract_strided_slice %mul3A {offsets = [0, 0], sizes = [1408, 1], strides = [1, 1]} : vector<1536x1xf32> to vector<1408x1xf32>
    %add3A_985 = vector.broadcast %slice3A_984 : vector<1408x1xf32> to vector<1408x128xf32>
    %add3A_986 = vector.broadcast %mul3A_958 : vector<1x128xf32> to vector<1408x128xf32>
    %add3A_987 = arith.addf %add3A_985, %add3A_986 : vector<1408x128xf32>
    %sub3A_988 = arith.subf %add3A_987, %mul3A_983 : vector<1408x128xf32>
    %add3A_989 = arith.constant 1.000000e-07 : f32
    %add3A_990 = vector.broadcast %add3A_989 : f32 to vector<1408x128xf32>
    %add3A_991 = arith.addf %sub3A_988, %add3A_990 : vector<1408x128xf32>
    %div3A_992 = arith.divf %mul3A_983, %add3A_991 : vector<1408x128xf32>
    %iota3A_993 = tpu.iota {dimensions = array<i32: 1>} : vector<1x128xi32>
    %add3A_994 = arith.constant 1280 : i32
    %add3A_995 = vector.broadcast %add3A_994 : i32 to vector<1x128xi32>
    %add3A_996 = arith.addi %add3A_995, %iota3A_993 : vector<1x128xi32>
    %slice3A_997 = vector.extract_strided_slice %iota3A {offsets = [0, 0], sizes = [1408, 1], strides = [1, 1]} : vector<1536x1xi32> to vector<1408x1xi32>
    %lt3A_998 = vector.broadcast %slice3A_997 : vector<1408x1xi32> to vector<1408x128xi32>
    %lt3A_999 = vector.broadcast %add3A_996 : vector<1x128xi32> to vector<1408x128xi32>
    %lt3A_1000 = arith.cmpi slt, %lt3A_998, %lt3A_999 : vector<1408x128xi32>
    %jit3A_1001 = arith.constant 0.000000e+00 : f32
    %broadcast_in_dim3A_1002 = vector.broadcast %jit3A_1001 : f32 to vector<1408x128xf32>
    %select_n3A_1003 = arith.select %lt3A_1000, %div3A_992, %broadcast_in_dim3A_1002 : vector<1408x128xi1>, vector<1408x128xf32>
    %reduce_max3A_1004 = arith.constant dense<0xFF800000> : vector<128xf32>
    %reduce_max3A_1005 = vector.multi_reduction <maximumf>, %select_n3A_1003, %reduce_max3A_1004 [0] : vector<1408x128xf32> to vector<128xf32>
    %broadcast_in_dim3A_1006 = vector.shape_cast %reduce_max3A_1005 : vector<128xf32> to vector<1x128xf32>
    %slice3A_1007 = vector.extract_strided_slice %get3A_24 {offsets = [0, 1280], sizes = [1, 128], strides = [1, 1]} : vector<1x1536xf32> to vector<1x128xf32>
    %lt3A_1008 = arith.constant 4.500000e-01 : f32
    %lt3A_1009 = vector.broadcast %lt3A_1008 : f32 to vector<1x128xf32>
    %lt3A_1010 = arith.cmpf olt, %broadcast_in_dim3A_1006, %lt3A_1009 : vector<1x128xf32>
    %gt3A_1011 = arith.constant 2.500000e-01 : f32
    %gt3A_1012 = vector.broadcast %gt3A_1011 : f32 to vector<1x128xf32>
    %gt3A_1013 = arith.cmpf ogt, %slice3A_1007, %gt3A_1012 : vector<1x128xf32>
    %and3A_1014 = arith.andi %lt3A_1010, %gt3A_1013 : vector<1x128xi1>
    %jit3A_1015 = arith.constant -1.000000e+00 : f32
    %broadcast_in_dim3A_1016 = vector.broadcast %jit3A_1015 : f32 to vector<1x128xf32>
    %select_n3A_1017 = arith.select %and3A_1014, %slice3A_1007, %broadcast_in_dim3A_1016 : vector<1x128xi1>, vector<1x128xf32>
    %swap3A_1018 = arith.constant 0 : index
    %swap3A_1019 = arith.constant 0 : index
    %swap3A_1020 = arith.constant 1280 : index
    %swap3A_1021 = vector.load %arg10[%swap3A_1018, %swap3A_1019, %swap3A_1020] : memref<1x1x1536xf32, #tpu.memory_space<vmem>>, vector<1x1x128xf32>
    %swap3A_1022 = vector.shape_cast %swap3A_1021 : vector<1x1x128xf32> to vector<1x128xf32>
    %swap3A_1023 = vector.shape_cast %select_n3A_1017 : vector<1x128xf32> to vector<1x1x128xf32>
    tpu.vector_store %arg10[%swap3A_1018, %swap3A_1019, %swap3A_1020], %swap3A_1023 {strides = array<i32>} : memref<1x1x1536xf32, #tpu.memory_space<vmem>>, vector<1x1x128xf32>,
    %get3A_1024 = arith.constant 0 : index
    %get3A_1025 = arith.constant 0 : index
    %get3A_1026 = arith.constant 0 : index
    %get3A_1027 = vector.load %arg2[%get3A_1024, %get3A_1025, %get3A_1026] : memref<1x1x1536xf32, #tpu.memory_space<vmem>>, vector<1x1x1536xf32>
    %get3A_1028 = vector.shape_cast %get3A_1027 : vector<1x1x1536xf32> to vector<1x1536xf32>
    %slice3A_1029 = vector.extract_strided_slice %get3A_1028 {offsets = [0, 1408], sizes = [1, 128], strides = [1, 1]} : vector<1x1536xf32> to vector<1x128xf32>
    %get3A_1030 = arith.constant 0 : index
    %get3A_1031 = arith.constant 0 : index
    %get3A_1032 = arith.constant 0 : index
    %get3A_1033 = vector.load %arg3[%get3A_1030, %get3A_1031, %get3A_1032] : memref<1x1x1536xf32, #tpu.memory_space<vmem>>, vector<1x1x1536xf32>
    %get3A_1034 = vector.shape_cast %get3A_1033 : vector<1x1x1536xf32> to vector<1x1536xf32>
    %slice3A_1035 = vector.extract_strided_slice %get3A_1034 {offsets = [0, 1408], sizes = [1, 128], strides = [1, 1]} : vector<1x1536xf32> to vector<1x128xf32>
    %get3A_1036 = arith.constant 0 : index
    %get3A_1037 = arith.constant 0 : index
    %get3A_1038 = arith.constant 0 : index
    %get3A_1039 = vector.load %arg4[%get3A_1036, %get3A_1037, %get3A_1038] : memref<1x1x1536xf32, #tpu.memory_space<vmem>>, vector<1x1x1536xf32>
    %get3A_1040 = vector.shape_cast %get3A_1039 : vector<1x1x1536xf32> to vector<1x1536xf32>
    %slice3A_1041 = vector.extract_strided_slice %get3A_1040 {offsets = [0, 1408], sizes = [1, 128], strides = [1, 1]} : vector<1x1536xf32> to vector<1x128xf32>
    %get3A_1042 = arith.constant 0 : index
    %get3A_1043 = arith.constant 0 : index
    %get3A_1044 = arith.constant 0 : index
    %get3A_1045 = vector.load %arg5[%get3A_1042, %get3A_1043, %get3A_1044] : memref<1x1x1536xf32, #tpu.memory_space<vmem>>, vector<1x1x1536xf32>
    %get3A_1046 = vector.shape_cast %get3A_1045 : vector<1x1x1536xf32> to vector<1x1536xf32>
    %slice3A_1047 = vector.extract_strided_slice %get3A_1046 {offsets = [0, 1408], sizes = [1, 128], strides = [1, 1]} : vector<1x1536xf32> to vector<1x128xf32>
    %sub3A_1048 = arith.subf %slice3A_1041, %slice3A_1029 : vector<1x128xf32>
    %sub3A_1049 = arith.subf %slice3A_1047, %slice3A_1035 : vector<1x128xf32>
    %mul3A_1050 = arith.mulf %sub3A_1048, %sub3A_1049 : vector<1x128xf32>
    %max3A_1051 = vector.broadcast %get3A_3 : vector<1536x1xf32> to vector<1536x128xf32>
    %max3A_1052 = vector.broadcast %slice3A_1029 : vector<1x128xf32> to vector<1536x128xf32>
    %max3A_1053 = arith.maximumf %max3A_1051, %max3A_1052 : vector<1536x128xf32>
    %max3A_1054 = vector.broadcast %get3A_8 : vector<1536x1xf32> to vector<1536x128xf32>
    %max3A_1055 = vector.broadcast %slice3A_1035 : vector<1x128xf32> to vector<1536x128xf32>
    %max3A_1056 = arith.maximumf %max3A_1054, %max3A_1055 : vector<1536x128xf32>
    %min3A_1057 = vector.broadcast %get3A_13 : vector<1536x1xf32> to vector<1536x128xf32>
    %min3A_1058 = vector.broadcast %slice3A_1041 : vector<1x128xf32> to vector<1536x128xf32>
    %min3A_1059 = arith.minimumf %min3A_1057, %min3A_1058 : vector<1536x128xf32>
    %min3A_1060 = vector.broadcast %get3A_18 : vector<1536x1xf32> to vector<1536x128xf32>
    %min3A_1061 = vector.broadcast %slice3A_1047 : vector<1x128xf32> to vector<1536x128xf32>
    %min3A_1062 = arith.minimumf %min3A_1060, %min3A_1061 : vector<1536x128xf32>
    %sub3A_1063 = arith.subf %min3A_1059, %max3A_1053 : vector<1536x128xf32>
    %max3A_1064 = arith.constant 0.000000e+00 : f32
    %max3A_1065 = vector.broadcast %max3A_1064 : f32 to vector<1536x128xf32>
    %max3A_1066 = arith.maximumf %sub3A_1063, %max3A_1065 : vector<1536x128xf32>
    %sub3A_1067 = arith.subf %min3A_1062, %max3A_1056 : vector<1536x128xf32>
    %max3A_1068 = arith.constant 0.000000e+00 : f32
    %max3A_1069 = vector.broadcast %max3A_1068 : f32 to vector<1536x128xf32>
    %max3A_1070 = arith.maximumf %sub3A_1067, %max3A_1069 : vector<1536x128xf32>
    %mul3A_1071 = arith.mulf %max3A_1066, %max3A_1070 : vector<1536x128xf32>
    %add3A_1072 = vector.broadcast %mul3A : vector<1536x1xf32> to vector<1536x128xf32>
    %add3A_1073 = vector.broadcast %mul3A_1050 : vector<1x128xf32> to vector<1536x128xf32>
    %add3A_1074 = arith.addf %add3A_1072, %add3A_1073 : vector<1536x128xf32>
    %sub3A_1075 = arith.subf %add3A_1074, %mul3A_1071 : vector<1536x128xf32>
    %add3A_1076 = arith.constant 1.000000e-07 : f32
    %add3A_1077 = vector.broadcast %add3A_1076 : f32 to vector<1536x128xf32>
    %add3A_1078 = arith.addf %sub3A_1075, %add3A_1077 : vector<1536x128xf32>
    %div3A_1079 = arith.divf %mul3A_1071, %add3A_1078 : vector<1536x128xf32>
    %iota3A_1080 = tpu.iota {dimensions = array<i32: 1>} : vector<1x128xi32>
    %add3A_1081 = arith.constant 1408 : i32
    %add3A_1082 = vector.broadcast %add3A_1081 : i32 to vector<1x128xi32>
    %add3A_1083 = arith.addi %add3A_1082, %iota3A_1080 : vector<1x128xi32>
    %lt3A_1084 = vector.broadcast %iota3A : vector<1536x1xi32> to vector<1536x128xi32>
    %lt3A_1085 = vector.broadcast %add3A_1083 : vector<1x128xi32> to vector<1536x128xi32>
    %lt3A_1086 = arith.cmpi slt, %lt3A_1084, %lt3A_1085 : vector<1536x128xi32>
    %jit3A_1087 = arith.constant 0.000000e+00 : f32
    %broadcast_in_dim3A_1088 = vector.broadcast %jit3A_1087 : f32 to vector<1536x128xf32>
    %select_n3A_1089 = arith.select %lt3A_1086, %div3A_1079, %broadcast_in_dim3A_1088 : vector<1536x128xi1>, vector<1536x128xf32>
    %reduce_max3A_1090 = arith.constant dense<0xFF800000> : vector<128xf32>
    %reduce_max3A_1091 = vector.multi_reduction <maximumf>, %select_n3A_1089, %reduce_max3A_1090 [0] : vector<1536x128xf32> to vector<128xf32>
    %broadcast_in_dim3A_1092 = vector.shape_cast %reduce_max3A_1091 : vector<128xf32> to vector<1x128xf32>
    %slice3A_1093 = vector.extract_strided_slice %get3A_24 {offsets = [0, 1408], sizes = [1, 128], strides = [1, 1]} : vector<1x1536xf32> to vector<1x128xf32>
    %lt3A_1094 = arith.constant 4.500000e-01 : f32
    %lt3A_1095 = vector.broadcast %lt3A_1094 : f32 to vector<1x128xf32>
    %lt3A_1096 = arith.cmpf olt, %broadcast_in_dim3A_1092, %lt3A_1095 : vector<1x128xf32>
    %gt3A_1097 = arith.constant 2.500000e-01 : f32
    %gt3A_1098 = vector.broadcast %gt3A_1097 : f32 to vector<1x128xf32>
    %gt3A_1099 = arith.cmpf ogt, %slice3A_1093, %gt3A_1098 : vector<1x128xf32>
    %and3A_1100 = arith.andi %lt3A_1096, %gt3A_1099 : vector<1x128xi1>
    %jit3A_1101 = arith.constant -1.000000e+00 : f32
    %broadcast_in_dim3A_1102 = vector.broadcast %jit3A_1101 : f32 to vector<1x128xf32>
    %select_n3A_1103 = arith.select %and3A_1100, %slice3A_1093, %broadcast_in_dim3A_1102 : vector<1x128xi1>, vector<1x128xf32>
    %swap3A_1104 = arith.constant 0 : index
    %swap3A_1105 = arith.constant 0 : index
    %swap3A_1106 = arith.constant 1408 : index
    %swap3A_1107 = vector.load %arg10[%swap3A_1104, %swap3A_1105, %swap3A_1106] : memref<1x1x1536xf32, #tpu.memory_space<vmem>>, vector<1x1x128xf32>
    %swap3A_1108 = vector.shape_cast %swap3A_1107 : vector<1x1x128xf32> to vector<1x128xf32>
    %swap3A_1109 = vector.shape_cast %select_n3A_1103 : vector<1x128xf32> to vector<1x1x128xf32>
    tpu.vector_store %arg10[%swap3A_1104, %swap3A_1105, %swap3A_1106], %swap3A_1109 {strides = array<i32>} : memref<1x1x1536xf32, #tpu.memory_space<vmem>>, vector<1x1x128xf32>,
    return
  }
  func.func @transform_0(%arg0: i32) -> (i32, i32, i32) {
    %c0_i32 = arith.constant 0 : i32
    %c0_i32_0 = arith.constant 0 : i32
    %c0_i32_1 = arith.constant 0 : i32
    return %arg0, %c0_i32, %c0_i32_0 : i32, i32, i32
  }
  func.func @transform_1(%arg0: i32) -> (i32, i32, i32) {
    %c0_i32 = arith.constant 0 : i32
    %c0_i32_0 = arith.constant 0 : i32
    %c0_i32_1 = arith.constant 0 : i32
    return %arg0, %c0_i32, %c0_i32_0 : i32, i32, i32
  }
  func.func @transform_2(%arg0: i32) -> (i32, i32, i32) {
    %c0_i32 = arith.constant 0 : i32
    %c0_i32_0 = arith.constant 0 : i32
    %c0_i32_1 = arith.constant 0 : i32
    return %arg0, %c0_i32, %c0_i32_0 : i32, i32, i32
  }
  func.func @transform_3(%arg0: i32) -> (i32, i32, i32) {
    %c0_i32 = arith.constant 0 : i32
    %c0_i32_0 = arith.constant 0 : i32
    %c0_i32_1 = arith.constant 0 : i32
    return %arg0, %c0_i32, %c0_i32_0 : i32, i32, i32
  }
  func.func @transform_4(%arg0: i32) -> (i32, i32, i32) {
    %c0_i32 = arith.constant 0 : i32
    %c0_i32_0 = arith.constant 0 : i32
    %c0_i32_1 = arith.constant 0 : i32
    return %arg0, %c0_i32, %c0_i32_0 : i32, i32, i32
  }
  func.func @transform_5(%arg0: i32) -> (i32, i32, i32) {
    %c0_i32 = arith.constant 0 : i32
    %c0_i32_0 = arith.constant 0 : i32
    %c0_i32_1 = arith.constant 0 : i32
    return %arg0, %c0_i32, %c0_i32_0 : i32, i32, i32
  }
  func.func @transform_6(%arg0: i32) -> (i32, i32, i32) {
    %c0_i32 = arith.constant 0 : i32
    %c0_i32_0 = arith.constant 0 : i32
    %c0_i32_1 = arith.constant 0 : i32
    return %arg0, %c0_i32, %c0_i32_0 : i32, i32, i32
  }
  func.func @transform_7(%arg0: i32) -> (i32, i32, i32) {
    %c0_i32 = arith.constant 0 : i32
    %c0_i32_0 = arith.constant 0 : i32
    %c0_i32_1 = arith.constant 0 : i32
    return %arg0, %c0_i32, %c0_i32_0 : i32, i32, i32
  }
  func.func @transform_8(%arg0: i32) -> (i32, i32, i32) {
    %c0_i32 = arith.constant 0 : i32
    %c0_i32_0 = arith.constant 0 : i32
    %c0_i32_1 = arith.constant 0 : i32
    return %arg0, %c0_i32, %c0_i32_0 : i32, i32, i32
  }
  func.func @transform_9(%arg0: i32) -> (i32, i32, i32) {
    %c0_i32 = arith.constant 0 : i32
    %c0_i32_0 = arith.constant 0 : i32
    %c0_i32_1 = arith.constant 0 : i32
    return %arg0, %c0_i32, %c0_i32_0 : i32, i32, i32
  }
}

</mosaic_0001>

<sc_bundles>
// kernel: gather_offload_async_start.1
scs
__scs_entry_jumppad:
0x0: {  	(pc) =	sbr.rel $0x88, $3  }
0x1: {  	(tag) =	ssettag $0x0;
	lr =	simm.s32 $0x1  }
0x2: {  	[smem:$0x3F9F] =	sst lr;
	_ =	strace $0xD0000000  }
0x3: {  	_ = 	snop  }
0x4: {  	_ = 	snop  }
0x5: {  	_ = 	snop  }
0x6: {  	_ = 	snop  }
0x7: {  	_ = 	snop  }
__scs_overlays_trampoline_lowered:
0x8: {  	[smem:$0x3FAE] =	sst s0  }
0x9: {  	[smem:$0x3FAF] =	sst s1  }
0xa: {  	[smem:$0x3FB0] =	sst s2  }
0xb: {  	[smem:$0x3FB1] =	sst s3  }
0xc: {  	[smem:$0x3FB2] =	sst s4  }
0xd: {  	[smem:$0x3FB3] =	sst s5  }
0xe: {  	[smem:$0x3FB4] =	sst s6  }
0xf: {  	[smem:$0x3FB5] =	sst s7  }
0x10: {  	[smem:$0x3FB6] =	sst s8  }
0x11: {  	[smem:$0x3FB7] =	sst s9;
	s0 =	simm.s32 @!p0 $0x0  }
0x12: {  	s1 =	sld [smem:$0x3F9D];
	s0 =	simm.s32 @p0 $0x1  }
0x13: {  	[smem:$0x3FB8] =	sst s0;
	s0 =	simm.s32 @!p1 $0x0  }
0x14: {  	s2 =	sld [smem:$0x3F9C];
	s0 =	simm.s32 @p1 $0x1  }
0x15: {  	[smem:$0x3FB9] =	sst s0;
	s0 =	simm.s32 @!p2 $0x0  }
0x16: {  	s3 =	sld [smem:$0x3FDB];
	s0 =	simm.s32 @p2 $0x1  }
0x17: {  	s4 =	simm.s32 $0x1BF5;
	[smem:$0x3FBB] =	sst s0  }
0x18: {  	s0 =	sld [smem:$0x3F9E];
	_ =	swait.ge [sflag:s4], $0x0  }
0x19: {  	s7 =	sld [smem:$0x3F9F]  }
0x1a: {  	s8 =	sadd.s32 $0xFFFFE003, lr  }
0x1b: {  	s9 =	sadd.s32 $0xFFFFFEF7, lr;
	s5 =	simm.s32 $0xFFFFFFFF;
	p2 =	slt.u32 s8, $0xFFFFF086  }
0x1c: {  	p1 =	slt.u32 s9, $0xF7A;
	s5 =	simm.s32 @!p2 $0x0  }
0x1d: {  	s5 =	simm.s32 @p1 $0x1;
	p0 =	seq.s32 s7, s2  }
0x1e: {  	s7 =	smul.u32 @!p0 $0xF7A, s2;
	p2 =	seq.s32 @!p0 s5, $0x0  }
0x1f: {  	s9 =	smul.u32 $0xF7A, s1;
	s8 =	simm.s32 @!p0 $0x1BF5;
	p2 =	por !p2, p0  }
0x20: {  	[sflag:s8] =	ssyncset.s32 @!p0 $0xFFFFF086;
	s6 =	sadd.s32 @!p0 s3, s7;
	s7 =	simm.s32 @!p0 $0x108  }
0x21: {  	s3 =	sadd.s32 s3, s9;
	s6 =	sadd.s32 @!p0 $0x88, s6;
	s7 =	simm.s32 @p2 $0x1082  }
0x22: {  	[simem:s7], [sflag:s8] =	dma.local @!p0 [hbm:s6], $0xF7A  }
0x23: {  	s9 =	sor.u32 $0xD0000000, s2;
	s6 =	simm.s32 $0x108;
	_ =	swait.ge @!p0 [sflag:s8], $0x0  }
0x24: {  	s3 =	sadd.s32 $0x88, s3;
	s6 =	simm.s32 @!p1 $0x1082;
	[sflag:s4] =	ssyncset.s32 $0xFFFFF086  }
0x25: {  	[simem:s6], [sflag:s4] =	dma.local [hbm:s3], $0xF7A  }
0x26: {  	[smem:$0x3F9F] =	sst s1;
	(tag) =	ssettag s2;
	_ =	strace s9  }
0x27: {  	s1 =	sld [smem:$0x3FAF]  }
0x28: {  	s2 =	sld [smem:$0x3FB0]  }
0x29: {  	s4 =	sld [smem:$0x3FB2]  }
0x2a: {  	p0 =	seq.s32 s5, $0x0;
	s5 =	sld [smem:$0x3FB3]  }
0x2b: {  	s6 =	sld [smem:$0x3FB4]  }
0x2c: {  	s7 =	sld [smem:$0x3FB5]  }
0x2d: {  	s3 =	simm.s32 $0x108;
	s8 =	sld [smem:$0x3FB6]  }
0x2e: {  	s3 =	simm.s32 @!p0 $0x1082;
	s9 =	sld [smem:$0x3FB7]  }
0x2f: {  	lr =	sadd.s32 s0, s3;
	s0 =	sld [smem:$0x3FAE]  }
0x30: {  	s3 =	sld [smem:$0x3FB1]  }
0x31: {  	[smem:$0x3FBA] =	sst s10  }
0x32: {  	s10 =	sld [smem:$0x3FB8];
	_ =	sdelay $0x3  }
0x33: {  	p0 =	seq.s32 s10, $0x1;
	s10 =	sld [smem:$0x3FBA];
	_ =	sdelay $0x3  }
0x34: {  	[smem:$0x3FBA] =	sst s10  }
0x35: {  	s10 =	sld [smem:$0x3FB9];
	_ =	sdelay $0x3  }
0x36: {  	p1 =	seq.s32 s10, $0x1;
	s10 =	sld [smem:$0x3FBA];
	_ =	sdelay $0x3  }
0x37: {  	[smem:$0x3FBA] =	sst s10  }
0x38: {  	s10 =	sld [smem:$0x3FBB]  }
0x39: {  	_ = 	snop;
	(pc) =	sbr.ind lr, $3  }
0x3a: {  	_ = 	snop  }
0x3b: {  	_ = 	snop  }
0x3c: {  	p2 =	seq.s32 s10, $0x1;
	s10 =	sld [smem:$0x3FBA]  }
0x3d: {  	_ =	shalt  }
0x3e: {  	_ =	shalt  }
0x3f: {  	_ =	shalt  }
0x40: {  	_ =	shalt  }
0x41: {  	_ =	shalt  }
0x42: {  	_ =	shalt  }
0x43: {  	_ =	shalt  }
0x44: {  	_ =	shalt  }
0x45: {  	_ =	shalt  }
0x46: {  	_ =	shalt  }
0x47: {  	_ =	shalt  }
0x48: {  	_ =	shalt  }
0x49: {  	_ =	shalt  }
0x4a: {  	_ =	shalt  }
0x4b: {  	_ =	shalt  }
0x4c: {  	_ =	shalt  }
0x4d: {  	_ =	shalt  }
0x4e: {  	_ =	shalt  }
0x4f: {  	_ =	shalt  }
0x50: {  	_ =	shalt  }
0x51: {  	_ =	shalt  }
0x52: {  	_ =	shalt  }
0x53: {  	_ =	shalt  }
0x54: {  	_ =	shalt  }
0x55: {  	_ =	shalt  }
0x56: {  	_ =	shalt  }
0x57: {  	_ =	shalt  }
0x58: {  	_ =	shalt  }
0x59: {  	_ =	shalt  }
0x5a: {  	_ =	shalt  }
0x5b: {  	_ =	shalt  }
0x5c: {  	_ =	shalt  }
0x5d: {  	_ =	shalt  }
0x5e: {  	_ =	shalt  }
0x5f: {  	_ =	shalt  }
0x60: {  	_ =	shalt  }
0x61: {  	_ =	shalt  }
0x62: {  	_ =	shalt  }
0x63: {  	_ =	shalt  }
0x64: {  	_ =	shalt  }
0x65: {  	_ =	shalt  }
0x66: {  	_ =	shalt  }
0x67: {  	_ =	shalt  }
0x68: {  	_ =	shalt  }
0x69: {  	_ =	shalt  }
0x6a: {  	_ =	shalt  }
0x6b: {  	_ =	shalt  }
0x6c: {  	_ =	shalt  }
0x6d: {  	_ =	shalt  }
0x6e: {  	_ =	shalt  }
0x6f: {  	_ =	shalt  }
0x70: {  	_ =	shalt  }
0x71: {  	_ =	shalt  }
0x72: {  	_ =	shalt  }
0x73: {  	_ =	shalt  }
0x74: {  	_ =	shalt  }
0x75: {  	_ =	shalt  }
0x76: {  	_ =	shalt  }
0x77: {  	_ =	shalt  }
0x78: {  	_ =	shalt  }
0x79: {  	_ =	shalt  }
0x7a: {  	_ =	shalt  }
0x7b: {  	_ =	shalt  }
0x7c: {  	_ =	shalt  }
0x7d: {  	_ =	shalt  }
0x7e: {  	_ =	shalt  }
0x7f: {  	_ =	shalt  }
0x80: {  	_ =	shalt  }
0x81: {  	_ =	shalt  }
0x82: {  	_ =	shalt  }
0x83: {  	_ =	shalt  }
0x84: {  	_ =	shalt  }
0x85: {  	_ =	shalt  }
0x86: {  	_ =	shalt  }
0x87: {  	_ =	shalt  }
.Lfunc_end0:
.L_simem_size_0:
called_computation.1_lowered:
.L_overlay_start_0:
0x88: {  	s0 =	sld [smem:$0x3FD9]  }
0x89: {  	s1 =	sld [smem:$0x3FFE];
	_ =	sdelay $0x3  }
0x8a: {  	s0 =	sadd.s32 s1, s0  }
0x8b: {  	[smem:$0x3FC6] =	sst s0  }
0x8c: {  	_ = 	snop  }
0x8d: {  	(tm) =	ssettm $0x1  }
0x8e: {  	s15 =	sld [smem:$0x3FFB];
	_ =	sdelay $0x3  }
0x8f: {  	_ =	strace s15  }
0x90: {  	s0 =	sld [smem:$0x3FFC];
	_ =	sdelay $0x3  }
0x91: {  	_ =	strace s0  }
0x92: {  	s0 =	sld [smem:$0x3FFD];
	_ =	sdelay $0x3  }
0x93: {  	_ =	strace s0  }
0x94: {  	_ =	strace $0x8FFFFFFF  }
0x95: {  	s16 =	sld [smem:$0x3FDB];
	_ =	sdelay $0x1  }
0x96: {  	s17 =	simm.s32 $_scs_section_size  }
0x97: {  	s2 =	simm.s32 $_size__tile_overlayer_lowered;
	s3 =	simm.s32 $_tile_overlayer_lowered  }
0x98: {  	s20 =	simm.s32 $0x1BFF;
	s19 =	sshll.u32 s3, $0x1;
	s0 =	sadd.s32 s17, s16  }
0x99: {  	s4 =	simm.s32 $0x0;
	s18 =	sshll.u32 s2, $0x1;
	s2 =	sadd.s32 s19, s0  }
0x9a: {  	[timem:s4], [sflag:s20] =	dma.local [hbm:s2], s18  }
0x9b: {  	_ =	swait.ge [sflag:s20], s18  }
0x9c: {  	s1 =	ssub.s32 $0x0, s18;
	[sflag:s20] =	ssyncset.done $0x0  }
0x9d: {  	[sflag:s20] =	ssyncadd.s32 s1;
	_ =	sdelay $0x1  }
0x9e: {  	s21 =	simm.s32 $0x1B8B  }
0x9f: {  	_ =	swait.ge [sflag:s21], $0x1  }
0xa0: {  	[sflag:s21] =	ssyncset.done $0x0  }
0xa1: {  	s23 =	simm.s32 $0x1B8E;
	s22 =	sld [smem:$0x3FFE];
	[sflag:s21] =	ssyncadd.s32 $0xFFFFFFFF  }
0xa2: {  	s24 =	simm.s32 $execute0_lowered;
	[smem:$0x3FD2] =	sst s23  }
0xa3: {  	s2 =	sshll.u32 s24, $0x1;
	_ =	strace $0x80000046;
	[dreg:$0x1] =	wrdreg $0xFFFFFFFF  }
0xa4: {  	s25 =	simm.s32 $_size_execute0_lowered;
	s0 =	sadd.s32 s0, s2;
	[dreg:$0x0] =	wrdreg $0x0  }
0xa5: {  	s2 =	sshll.u32 s25, $0x1;
	[dreg:$0x2] =	wrdreg s0  }
0xa6: {  	[dreg:$0x3] =	wrdreg s2  }
0xa7: {  	[dreg:$0x4] =	wrdreg $0xC0  }
0xa8: {  	_ =	task [dreg:s4], $0x5FFFF  }
0xa9: {  	[dreg:$0x1] =	wrdreg $0xFFFFFFFF  }
0xaa: {  	[dreg:$0x0] =	wrdreg $0x60  }
0xab: {  	[dreg:$0x2] =	wrdreg s22  }
0xac: {  	[dreg:$0x3] =	wrdreg $0x9  }
0xad: {  	_ =	task.clear_ibuf [dreg:s4], $0x4FFFF;
	_ =	strace $0x90000046  }
0xae: {  	s26 =	simm.s32 $0x9;
	_ =	strace $0x80000048  }
0xaf: {  	_ =	swait.ge [sflag:s26], $0x1  }
0xb0: {  	[sflag:s26] =	ssyncadd.s32 $0xFFFFFFFF  }
0xb1: {  	_ =	strace $0x90000048  }
0xb2: {  	_ =	sfence  }
0xb3: {  	s28 =	sld [smem:$0x0];
	_ =	sdelay $0x1  }
0xb4: {  	s29 =	srdreg.scid  }
0xb5: {  	s30 =	sshll.u32 s29, $0xD;
	s31 =	sshrl.u32 s29, $0x2  }
0xb6: {  	s1 =	sand.u32 $0x1, s29;
	s2 =	sand.u32 $0x4000, s30;
	s0 =	sadd.s32 s31, s28  }
0xb7: {  	s1 =	sor.u32 s2, s1;
	s0 =	sshll.u32 s0, $0x11  }
0xb8: {  	s0 =	sor.u32 s0, s1  }
0xb9: {  	s0 =	sadd.s32 $0x8F2B, s0  }
0xba: {  	[sflag:s0] =	ssyncadd.remote.s32 $0x1  }
0xbb: {  	_ =	sfence.sel $0xFFFF  }
0xbc: {  	[dreg:$0x0] =	wrdreg $0xFFFFFFFF;
	(pc) =	sbr.abs _section_cstart, $3  }
0xbd: {  	[dreg:$0x1] =	wrdreg $0xFFFFFFFF  }
0xbe: {  	_ =	task.clear_ibuf [dreg:s4], $0x2FFFF;
	_ =	strace $0x9FFFFFFF  }
0xbf: {  	(tm) =	ssettm $0x7FFFFFFF  }
tec
execute0_lowered:
.L_overlay_start_1:
0x0: {  	(tag) =	ssettag $0x1  }
0x1: {  	s8 =	rddreg [dreg:$0x0]  }
0x2: {  	s0 =	rddreg [dreg:$0x1];
	_ =	strace $0x80000047  }
0x3: {  	s4 =	simm.s32 $0x1;
	s1 =	stileid.u32;
	s7 =	simm.s32 $0x1  }
0x4: {  	s9 =	simm.s32 $0x1;
	s6 =	simm.s32 $0x2;
	s10 =	simm.s32 $0x3  }
0x5: {  	s13 =	simm.s32 $0x0;
	s12 =	simm.s32 $0x0;
	s2 =	sadd.s32 $0x800, s8  }
.Ltmp0:
0x6: {  	s3 =	sadd.s32 $0x400, s8;
	p0 =	slt.u32 s1, $0xA;
	(pc) =	sbr.rel .LBB2_1-.Ltmp0, $4  }
0x7: {  	[sflag:s4] =	ssyncpa.u1 $0x0;
	s7 =	simm.s32 @!p0 $0x0;
	p0 =	sne.s32 s1, $0x9  }
0x8: {  	s5 =	smul.u32 $0xF0, s1;
	[sflag:s6] =	ssyncpa.u1 $0x0;
	s9 =	simm.s32 @!p0 $0x0  }
0x9: {  	s8 =	sadd.s32 $0x3000, s8;
	[sflag:s10] =	ssyncpa.u1 $0x0;
	s7 =	sadd.s32 s9, s7  }
0xa: {  	vm0 =	vmmov $0xffff;
	s10 =	simm.s32 $0x0;
	s11 =	smov.u32 s5;
	s9 =	sadd.s32 $0x1, s7  }
.LBB2_4:
0xb: {  	vm1 =	veq.s32 v4, $0x80000000;
	v56 =	vand.u32 $0x3, v4;
	v6 =	vand.u32 $0x7FFF, v6  }
0xc: {  	v2 =	vor.u32 v2, v5;
	v59 =	vshrl.u32 v1, $0x2;
	v60 =	vand.u32 $0x3, v1  }
0xd: {  	v4 =	vsel vm1, $0xFFFFFFFF, v56;
	v6 =	vsel vm1, $0xFFFFFFFF, v6;
	v2 =	vor.u32 v3, v2  }
0xe: {  	vm1 =	veq.s32 v1, $0x80000000;
	v5 =	vand.u32 $0x7FFF, v59;
	v7 =	vshrl.u32 v4, $0x2  }
0xf: {  	v57 =	vshll.u32 v6, $0x2;
	v4 =	vshll.u32 v4, $0x7;
	v1 =	vsel vm1, $0xFFFFFFFF, v60  }
0x10: {  	v5 =	vsel vm1, $0xFFFFFFFF, v5;
	v6 =	vand.u32 $0x7F, v6;
	v7 =	vmul.u32 $0x14000, v7  }
0x11: {  	v58 =	vand.u32 $0xFFFFFE00, v57;
	v4 =	vand.u32 $0x180, v4;
	v61 =	vshrl.u32 v1, $0x2  }
0x12: {  	v62 =	vshll.u32 v5, $0x2;
	v3 =	vadd.s32 v7, v58;
	v7 =	vmul.u32 $0x14000, v61  }
0x13: {  	v1 =	vshll.u32 v1, $0x7;
	v3 =	vor.u32 v4, v3;
	v4 =	vand.u32 $0xFFFFFE00, v62  }
0x14: {  	v1 =	vand.u32 $0x180, v1;
	v3 =	vor.u32 v6, v3;
	v4 =	vadd.s32 v7, v4  }
0x15: {  	[tilespmem:s16], [sflag:$0x1] =	stream.indirect_vreg.gather [hbm4b:s2+s10], $0x1, v0, vm0, $0x4038;
	v63 =	vand.u32 $0x7F, v5;
	v1 =	vor.u32 v1, v4;
	[tilespmem:$0x3C0] =	vst v63  }
0x16: {  	s15 =	sadd.s32 $0x10, s15;
	(ifvalue) =	ssetifvalue $0x7FFFFFFF;
	v0 =	vor.u32 v63, v1  }
0x17: {  	[tilespmem:s15], [sflag:$0x1] =	stream.indirect_vreg.gather [hbm4b:s2+s10], $0x1, v2, vm0, $0x4038;
	[tilespmem:$0x3C0] =	vst v63  }
0x18: {  	s15 =	sadd.s32 $0x10, s15;
	(ifvalue) =	ssetifvalue $0x7FFFFFFF  }
0x19: {  	[tilespmem:s15], [sflag:$0x1] =	stream.indirect_vreg.gather [hbm4b:s2+s10], $0x1, v3, vm0, $0x4038;
	[tilespmem:$0x3C0] =	vst v63  }
0x1a: {  	s15 =	sadd.s32 $0x10, s15;
	(ifvalue) =	ssetifvalue $0x7FFFFFFF  }
0x1b: {  	[tilespmem:s15], [sflag:$0x1] =	stream.indirect_vreg.gather [hbm4b:s2+s10], $0x1, v0, vm0, $0x4038;
	[tilespmem:$0x3C0] =	vst v63  }
0x1c: {  	_ =	swait.ge [sflag:s4], $0xF0  }
0x1d: {  	s30 =	sshrl.u32 s13, $0x3;
	[sflag:s4] =	ssyncset.done $0x0  }
0x1e: {  	s31 =	sand.u32 $0x7, s13;
	s15 =	sadd.s32 s8, s30;
	[sflag:s4] =	ssyncadd.s32 $0xFFFFFF10  }
0x1f: {  	[hbm4b:s15+s31] =	stream.linear.scatter [tilespmem:s14], [sflag:$0x3], $0xF0, $0x38;
	[tilespmem:$0x3C0] =	vst v63  }
.LBB2_5:
0x20: {  	s15 =	sadd.s32 $0xF00, s11  }
0x21: {  	p1 =	sgt.s32 s15, $0x176F  }
0x22: {  	s15 =	smov.u32 @p1 s5;
	p1 =	sne.s32 s12, s9  }
.Ltmp1:
0x23: {  	p0 =	slt.u32 s12, $0x2;
	(pc) =	sbr.rel @!p1 .LBB2_6-.Ltmp1, $4  }
0x24: {  	s14 =	simm.s32 @!p0 $0x3  }
0x25: {  	_ =	swait.ge @!p0 [sflag:s14], $0xF0  }
0x26: {  	s16 =	sadd.s32 $0x1, s12;
	s13 =	smov.u32 s11;
	[sflag:s14] =	ssyncset.done @!p0 $0x0  }
0x27: {  	s12 =	smov.u32 s16;
	s11 =	smov.u32 s15;
	[sflag:s14] =	ssyncadd.s32 @!p0 $0xFFFFFF10  }
.LBB2_1:
0x28: {  	p0 =	sge.u32 s12, s7  }
0x29: {  	s14 =	sxor.u32 @!p0 $0x1, s12  }
0x2a: {  	s14 =	smul.u32 @!p0 $0x3C0, s14  }
0x2b: {  	s31 =	sadd.s32 $0xFFFFFFFF, s12;
	s15 =	sshrl.u32 @!p0 s11, $0x3  }
0x2c: {  	s16 =	sand.u32 @!p0 $0x7, s11;
	s15 =	sadd.s32 @!p0 s3, s15;
	s14 =	sshra.s32 @!p0 s14, $0x2  }
0x2d: {  	[tilespmem:s14], [sflag:$0x2] =	stream.linear.gather @!p0 [hbm4b:s15+s16], $0xF0, $0x38;
	[tilespmem:$0x3C0] =	vst v63  }
0x2e: {  	p0 =	sge.u32 s31, s7  }
.Ltmp2:
0x2f: {  	_ = 	snop;
	(pc) =	sbr.rel @p0 .LBB2_5-.Ltmp2, $1  }
0x30: {  	_ =	sdelay $0x3  }
0x31: {  	s14 =	sand.u32 $0x1, s12  }
0x32: {  	_ =	swait.ge [sflag:s6], $0xF0;
	p0 =	seq.s32 s14, $0x1;
	s14 =	simm.s32 $0xF0  }
0x33: {  	[sflag:s6] =	ssyncset.done $0x0;
	s14 =	simm.s32 @!p0 $0x0  }
0x34: {  	[sflag:s6] =	ssyncadd.s32 $0xFFFFFF10;
	(ifvalue) =	ssetifvalue $0x7FFFFFFF;
	v0 =	vld.msk [tilespmem:s14+$0x0 ss:$0x1], $0xffff  }
0x35: {  	s15 =	sadd.s32 $0x10, s14  }
0x36: {  	v1 =	vld.msk [tilespmem:s15+$0x0 ss:$0x1], $0xffff;
	_ =	sdelay $0x2  }
0x37: {  	v2 =	vshrl.u32 v0, $0x2  }
0x38: {  	vm1 =	veq.s32 v0, $0x80000000;
	v0 =	vand.u32 $0x3, v0;
	v2 =	vand.u32 $0x7FFF, v2  }
0x39: {  	v0 =	vsel vm1, $0xFFFFFFFF, v0;
	v6 =	vshrl.u32 v1, $0x2;
	v2 =	vsel vm1, $0xFFFFFFFF, v2  }
0x3a: {  	v3 =	vshrl.u32 v0, $0x2;
	v0 =	vshll.u32 v0, $0x7;
	vm1 =	veq.s32 v1, $0x80000000  }
0x3b: {  	s15 =	sadd.s32 $0x10, s15;
	v1 =	vand.u32 $0x3, v1;
	v4 =	vshll.u32 v2, $0x2;
	v3 =	vmul.u32 $0x14000, v3  }
0x3c: {  	v0 =	vand.u32 $0x180, v0;
	v7 =	vand.u32 $0x7F, v2;
	v5 =	vand.u32 $0xFFFFFE00, v4;
	v4 =	vld.msk [tilespmem:s15+$0x0 ss:$0x1], $0xffff  }
0x3d: {  	v1 =	vsel vm1, $0xFFFFFFFF, v1;
	v2 =	vadd.s32 v3, v5;
	v3 =	vand.u32 $0x7FFF, v6  }
0x3e: {  	v3 =	vsel vm1, $0xFFFFFFFF, v3;
	v0 =	vor.u32 v0, v2;
	v2 =	vshrl.u32 v1, $0x2  }
0x3f: {  	v1 =	vshll.u32 v1, $0x7;
	v5 =	vshll.u32 v3, $0x2;
	v8 =	vmul.u32 $0x14000, v2  }
0x40: {  	s18 =	simm.s32 $0x30;
	s14 =	sadd.s32 $0x1E0, s14;
	s17 =	sadd.s32 $0x10, s15;
	v2 =	vand.u32 $0x180, v1;
	v0 =	vor.u32 v7, v0;
	v5 =	vand.u32 $0xFFFFFE00, v5  }
0x41: {  	s16 =	smov.u32 s14;
	s15 =	smov.u32 s14;
	v1 =	vld.msk [tilespmem:s17+$0x0 ss:$0x1], $0xffff;
	v3 =	vand.u32 $0x7F, v3;
	(ifvalue) =	ssetifvalue $0x7FFFFFFF;
	v6 =	vshrl.u32 v4, $0x2;
	v5 =	vadd.s32 v8, v5  }
.LBB2_3:
0x42: {  	s18 =	sadd.s32 $0x10, s18  }
0x43: {  	vm1 =	veq.s32 v4, $0x80000000;
	v4 =	vand.u32 $0x3, v4;
	v6 =	vand.u32 $0x7FFF, v6;
	s15 =	sadd.s32 $0x10, s15;
	p0 =	slt.u32 s18, $0xE0  }
.Ltmp3:
0x44: {  	v5 =	vor.u32 v2, v5;
	v4 =	vsel vm1, $0xFFFFFFFF, v4;
	v7 =	vsel vm1, $0xFFFFFFFF, v6;
	(pc) =	sbr.rel @p0 .LBB2_3-.Ltmp3, $4  }
0x45: {  	v2 =	vshrl.u32 v4, $0x2;
	v6 =	vshll.u32 v7, $0x2;
	v4 =	vshll.u32 v4, $0x7;
	[tilespmem:s16], [sflag:$0x1] =	stream.indirect_vreg.gather [hbm4b:s2+s10], $0x1, v0, vm0, $0x4038;
	[tilespmem:$0x3C0] =	vst v63  }
0x46: {  	v0 =	vor.u32 v3, v5;
	s16 =	smov.u32 s15;
	v8 =	vmul.u32 $0x14000, v2;
	v2 =	vand.u32 $0x180, v4  }
0x47: {  	s17 =	sadd.s32 $0x10, s17;
	v9 =	vand.u32 $0xFFFFFE00, v6  }
0x48: {  	v3 =	vand.u32 $0x7F, v7;
	v6 =	vshrl.u32 v1, $0x2;
	v5 =	vadd.s32 v8, v9;
	(ifvalue) =	ssetifvalue $0x7FFFFFFF;
	v4 =	vmovc v1;
	v1 =	vld.msk [tilespmem:s17+$0x0 ss:$0x1], $0xffff  }
.Ltmp4:
0x49: {  	_ = 	snop;
	(pc) =	sbr.rel .LBB2_4-.Ltmp4, $1  }
0x4a: {  	_ =	sdelay $0x3  }
.LBB2_6:
0x4b: {  	_ =	sfence.sel $0x180000  }
0x4c: {  	s2 =	simm.s32 $0x2;
	[bflag:$0x0] =	sbarrier.arrive $0xFFFF  }
0x4d: {  	s30 =	simm.s32 $0x3;
	[sflag:s2] =	ssyncpa.u1 $0x1  }
0x4e: {  	s31 =	simm.s32 $0x1;
	[sflag:s30] =	ssyncpa.u1 $0x1  }
0x4f: {  	[sflag:s31] =	ssyncpa.u1 $0x1  }
0x50: {  	p0 =	sne.s32 s1, $0x0;
	_ =	strace $0x90000047  }
0x51: {  	s0 =	sadd.s32 @!p0 $0x100000, s0;
	[bflag:$0x2] =	sbarrier.arrive $0xFFFF  }
0x52: {  	[sflag:s0] =	ssyncadd.tile.s32 @!p0 $0x1;
	_ =	shalt  }
.Lfunc_end2:
_tile_overlayer_lowered:
.L_overlay_start_2:
0x53: {  	(tag) =	ssettag $0x2  }
0x54: {  	s0 =	rddreg [dreg:$0x0];
	s2 =	stileid.u32  }
0x55: {  	s1 =	rddreg [dreg:$0x1];
	p0 =	sne.s32 s2, $0x0  }
0x56: {  	s3 =	rddreg [dreg:$0x2];
	[bflag:$0x3] =	sbarrier.arrive $0xFFFF;
	s2 =	simm.s32 @!p0 $0x1C01  }
0x57: {  	[timem:s3], [sflag:s2] =	dma.local @!p0 [hbm:s0], s1  }
0x58: {  	s0 =	simm.s32 @!p0 $0x1  }
0x59: {  	_ =	swait.ge @!p0 [sflag:s0], s1  }
0x5a: {  	s1 =	ssub.s32 @!p0 $0x0, s1;
	[sflag:s0] =	ssyncset.done @!p0 $0x0  }
0x5b: {  	[sflag:s0] =	ssyncadd.s32 @!p0 s1  }
0x5c: {  	[bflag:$0x3] =	sbarrier.arrive $0xFFFF  }
0x5d: {  	_ =	shalt  }

// kernel: gather_offload_async_start.2
scs
__scs_entry_jumppad:
0x0: {  	(pc) =	sbr.rel $0x88, $3  }
0x1: {  	(tag) =	ssettag $0x0;
	lr =	simm.s32 $0x1  }
0x2: {  	[smem:$0x3F9F] =	sst lr;
	_ =	strace $0xD0000000  }
0x3: {  	_ = 	snop  }
0x4: {  	_ = 	snop  }
0x5: {  	_ = 	snop  }
0x6: {  	_ = 	snop  }
0x7: {  	_ = 	snop  }
__scs_overlays_trampoline_lowered:
0x8: {  	[smem:$0x3FAE] =	sst s0  }
0x9: {  	[smem:$0x3FAF] =	sst s1  }
0xa: {  	[smem:$0x3FB0] =	sst s2  }
0xb: {  	[smem:$0x3FB1] =	sst s3  }
0xc: {  	[smem:$0x3FB2] =	sst s4  }
0xd: {  	[smem:$0x3FB3] =	sst s5  }
0xe: {  	[smem:$0x3FB4] =	sst s6  }
0xf: {  	[smem:$0x3FB5] =	sst s7  }
0x10: {  	[smem:$0x3FB6] =	sst s8  }
0x11: {  	[smem:$0x3FB7] =	sst s9;
	s0 =	simm.s32 @!p0 $0x0  }
0x12: {  	s1 =	sld [smem:$0x3F9D];
	s0 =	simm.s32 @p0 $0x1  }
0x13: {  	[smem:$0x3FB8] =	sst s0;
	s0 =	simm.s32 @!p1 $0x0  }
0x14: {  	s2 =	sld [smem:$0x3F9C];
	s0 =	simm.s32 @p1 $0x1  }
0x15: {  	[smem:$0x3FB9] =	sst s0;
	s0 =	simm.s32 @!p2 $0x0  }
0x16: {  	s3 =	sld [smem:$0x3FDB];
	s0 =	simm.s32 @p2 $0x1  }
0x17: {  	s4 =	simm.s32 $0x1BF5;
	[smem:$0x3FBB] =	sst s0  }
0x18: {  	s0 =	sld [smem:$0x3F9E];
	_ =	swait.ge [sflag:s4], $0x0  }
0x19: {  	s7 =	sld [smem:$0x3F9F]  }
0x1a: {  	s8 =	sadd.s32 $0xFFFFE003, lr  }
0x1b: {  	s9 =	sadd.s32 $0xFFFFFEF7, lr;
	s5 =	simm.s32 $0xFFFFFFFF;
	p2 =	slt.u32 s8, $0xFFFFF086  }
0x1c: {  	p1 =	slt.u32 s9, $0xF7A;
	s5 =	simm.s32 @!p2 $0x0  }
0x1d: {  	s5 =	simm.s32 @p1 $0x1;
	p0 =	seq.s32 s7, s2  }
0x1e: {  	s7 =	smul.u32 @!p0 $0xF7A, s2;
	p2 =	seq.s32 @!p0 s5, $0x0  }
0x1f: {  	s9 =	smul.u32 $0xF7A, s1;
	s8 =	simm.s32 @!p0 $0x1BF5;
	p2 =	por !p2, p0  }
0x20: {  	[sflag:s8] =	ssyncset.s32 @!p0 $0xFFFFF086;
	s6 =	sadd.s32 @!p0 s3, s7;
	s7 =	simm.s32 @!p0 $0x108  }
0x21: {  	s3 =	sadd.s32 s3, s9;
	s6 =	sadd.s32 @!p0 $0x88, s6;
	s7 =	simm.s32 @p2 $0x1082  }
0x22: {  	[simem:s7], [sflag:s8] =	dma.local @!p0 [hbm:s6], $0xF7A  }
0x23: {  	s9 =	sor.u32 $0xD0000000, s2;
	s6 =	simm.s32 $0x108;
	_ =	swait.ge @!p0 [sflag:s8], $0x0  }
0x24: {  	s3 =	sadd.s32 $0x88, s3;
	s6 =	simm.s32 @!p1 $0x1082;
	[sflag:s4] =	ssyncset.s32 $0xFFFFF086  }
0x25: {  	[simem:s6], [sflag:s4] =	dma.local [hbm:s3], $0xF7A  }
0x26: {  	[smem:$0x3F9F] =	sst s1;
	(tag) =	ssettag s2;
	_ =	strace s9  }
0x27: {  	s1 =	sld [smem:$0x3FAF]  }
0x28: {  	s2 =	sld [smem:$0x3FB0]  }
0x29: {  	s4 =	sld [smem:$0x3FB2]  }
0x2a: {  	p0 =	seq.s32 s5, $0x0;
	s5 =	sld [smem:$0x3FB3]  }
0x2b: {  	s6 =	sld [smem:$0x3FB4]  }
0x2c: {  	s7 =	sld [smem:$0x3FB5]  }
0x2d: {  	s3 =	simm.s32 $0x108;
	s8 =	sld [smem:$0x3FB6]  }
0x2e: {  	s3 =	simm.s32 @!p0 $0x1082;
	s9 =	sld [smem:$0x3FB7]  }
0x2f: {  	lr =	sadd.s32 s0, s3;
	s0 =	sld [smem:$0x3FAE]  }
0x30: {  	s3 =	sld [smem:$0x3FB1]  }
0x31: {  	[smem:$0x3FBA] =	sst s10  }
0x32: {  	s10 =	sld [smem:$0x3FB8];
	_ =	sdelay $0x3  }
0x33: {  	p0 =	seq.s32 s10, $0x1;
	s10 =	sld [smem:$0x3FBA];
	_ =	sdelay $0x3  }
0x34: {  	[smem:$0x3FBA] =	sst s10  }
0x35: {  	s10 =	sld [smem:$0x3FB9];
	_ =	sdelay $0x3  }
0x36: {  	p1 =	seq.s32 s10, $0x1;
	s10 =	sld [smem:$0x3FBA];
	_ =	sdelay $0x3  }
0x37: {  	[smem:$0x3FBA] =	sst s10  }
0x38: {  	s10 =	sld [smem:$0x3FBB]  }
0x39: {  	_ = 	snop;
	(pc) =	sbr.ind lr, $3  }
0x3a: {  	_ = 	snop  }
0x3b: {  	_ = 	snop  }
0x3c: {  	p2 =	seq.s32 s10, $0x1;
	s10 =	sld [smem:$0x3FBA]  }
0x3d: {  	_ =	shalt  }
0x3e: {  	_ =	shalt  }
0x3f: {  	_ =	shalt  }
0x40: {  	_ =	shalt  }
0x41: {  	_ =	shalt  }
0x42: {  	_ =	shalt  }
0x43: {  	_ =	shalt  }
0x44: {  	_ =	shalt  }
0x45: {  	_ =	shalt  }
0x46: {  	_ =	shalt  }
0x47: {  	_ =	shalt  }
0x48: {  	_ =	shalt  }
0x49: {  	_ =	shalt  }
0x4a: {  	_ =	shalt  }
0x4b: {  	_ =	shalt  }
0x4c: {  	_ =	shalt  }
0x4d: {  	_ =	shalt  }
0x4e: {  	_ =	shalt  }
0x4f: {  	_ =	shalt  }
0x50: {  	_ =	shalt  }
0x51: {  	_ =	shalt  }
0x52: {  	_ =	shalt  }
0x53: {  	_ =	shalt  }
0x54: {  	_ =	shalt  }
0x55: {  	_ =	shalt  }
0x56: {  	_ =	shalt  }
0x57: {  	_ =	shalt  }
0x58: {  	_ =	shalt  }
0x59: {  	_ =	shalt  }
0x5a: {  	_ =	shalt  }
0x5b: {  	_ =	shalt  }
0x5c: {  	_ =	shalt  }
0x5d: {  	_ =	shalt  }
0x5e: {  	_ =	shalt  }
0x5f: {  	_ =	shalt  }
0x60: {  	_ =	shalt  }
0x61: {  	_ =	shalt  }
0x62: {  	_ =	shalt  }
0x63: {  	_ =	shalt  }
0x64: {  	_ =	shalt  }
0x65: {  	_ =	shalt  }
0x66: {  	_ =	shalt  }
0x67: {  	_ =	shalt  }
0x68: {  	_ =	shalt  }
0x69: {  	_ =	shalt  }
0x6a: {  	_ =	shalt  }
0x6b: {  	_ =	shalt  }
0x6c: {  	_ =	shalt  }
0x6d: {  	_ =	shalt  }
0x6e: {  	_ =	shalt  }
0x6f: {  	_ =	shalt  }
0x70: {  	_ =	shalt  }
0x71: {  	_ =	shalt  }
0x72: {  	_ =	shalt  }
0x73: {  	_ =	shalt  }
0x74: {  	_ =	shalt  }
0x75: {  	_ =	shalt  }
0x76: {  	_ =	shalt  }
0x77: {  	_ =	shalt  }
0x78: {  	_ =	shalt  }
0x79: {  	_ =	shalt  }
0x7a: {  	_ =	shalt  }
0x7b: {  	_ =	shalt  }
0x7c: {  	_ =	shalt  }
0x7d: {  	_ =	shalt  }
0x7e: {  	_ =	shalt  }
0x7f: {  	_ =	shalt  }
0x80: {  	_ =	shalt  }
0x81: {  	_ =	shalt  }
0x82: {  	_ =	shalt  }
0x83: {  	_ =	shalt  }
0x84: {  	_ =	shalt  }
0x85: {  	_ =	shalt  }
0x86: {  	_ =	shalt  }
0x87: {  	_ =	shalt  }
.Lfunc_end0:
.L_simem_size_0:
called_computation.2_lowered:
.L_overlay_start_0:
0x88: {  	s0 =	sld [smem:$0x3FD9]  }
0x89: {  	s1 =	sld [smem:$0x3FFE];
	_ =	sdelay $0x3  }
0x8a: {  	s0 =	sadd.s32 s1, s0  }
0x8b: {  	[smem:$0x3FC6] =	sst s0  }
0x8c: {  	_ = 	snop  }
0x8d: {  	(tm) =	ssettm $0x1  }
0x8e: {  	s15 =	sld [smem:$0x3FFB];
	_ =	sdelay $0x3  }
0x8f: {  	_ =	strace s15  }
0x90: {  	s0 =	sld [smem:$0x3FFC];
	_ =	sdelay $0x3  }
0x91: {  	_ =	strace s0  }
0x92: {  	s0 =	sld [smem:$0x3FFD];
	_ =	sdelay $0x3  }
0x93: {  	_ =	strace s0  }
0x94: {  	_ =	strace $0x8FFFFFFF  }
0x95: {  	s16 =	sld [smem:$0x3FDB];
	_ =	sdelay $0x1  }
0x96: {  	s17 =	simm.s32 $_scs_section_size  }
0x97: {  	s2 =	simm.s32 $_size__tile_overlayer_lowered;
	s3 =	simm.s32 $_tile_overlayer_lowered  }
0x98: {  	s20 =	simm.s32 $0x1BFF;
	s19 =	sshll.u32 s3, $0x1;
	s0 =	sadd.s32 s17, s16  }
0x99: {  	s4 =	simm.s32 $0x0;
	s18 =	sshll.u32 s2, $0x1;
	s2 =	sadd.s32 s19, s0  }
0x9a: {  	[timem:s4], [sflag:s20] =	dma.local [hbm:s2], s18  }
0x9b: {  	_ =	swait.ge [sflag:s20], s18  }
0x9c: {  	s1 =	ssub.s32 $0x0, s18;
	[sflag:s20] =	ssyncset.done $0x0  }
0x9d: {  	[sflag:s20] =	ssyncadd.s32 s1;
	_ =	sdelay $0x1  }
0x9e: {  	s21 =	simm.s32 $0x1B8B  }
0x9f: {  	_ =	swait.ge [sflag:s21], $0x1  }
0xa0: {  	[sflag:s21] =	ssyncset.done $0x0  }
0xa1: {  	s23 =	simm.s32 $0x1B8E;
	s22 =	sld [smem:$0x3FFE];
	[sflag:s21] =	ssyncadd.s32 $0xFFFFFFFF  }
0xa2: {  	s24 =	simm.s32 $execute0_lowered;
	[smem:$0x3FD2] =	sst s23  }
0xa3: {  	s2 =	sshll.u32 s24, $0x1;
	_ =	strace $0x80000052;
	[dreg:$0x1] =	wrdreg $0xFFFFFFFF  }
0xa4: {  	s25 =	simm.s32 $_size_execute0_lowered;
	s0 =	sadd.s32 s0, s2;
	[dreg:$0x0] =	wrdreg $0x0  }
0xa5: {  	s2 =	sshll.u32 s25, $0x1;
	[dreg:$0x2] =	wrdreg s0  }
0xa6: {  	[dreg:$0x3] =	wrdreg s2  }
0xa7: {  	[dreg:$0x4] =	wrdreg $0xC0  }
0xa8: {  	_ =	task [dreg:s4], $0x5FFFF  }
0xa9: {  	[dreg:$0x1] =	wrdreg $0xFFFFFFFF  }
0xaa: {  	[dreg:$0x0] =	wrdreg $0x60  }
0xab: {  	[dreg:$0x2] =	wrdreg s22  }
0xac: {  	[dreg:$0x3] =	wrdreg $0x9  }
0xad: {  	_ =	task.clear_ibuf [dreg:s4], $0x4FFFF;
	_ =	strace $0x90000052  }
0xae: {  	s26 =	simm.s32 $0x9;
	_ =	strace $0x80000054  }
0xaf: {  	_ =	swait.ge [sflag:s26], $0x1  }
0xb0: {  	[sflag:s26] =	ssyncadd.s32 $0xFFFFFFFF  }
0xb1: {  	_ =	strace $0x90000054  }
0xb2: {  	_ =	sfence  }
0xb3: {  	s28 =	sld [smem:$0x0];
	_ =	sdelay $0x1  }
0xb4: {  	s29 =	srdreg.scid  }
0xb5: {  	s30 =	sshll.u32 s29, $0xD;
	s31 =	sshrl.u32 s29, $0x2  }
0xb6: {  	s1 =	sand.u32 $0x1, s29;
	s2 =	sand.u32 $0x4000, s30;
	s0 =	sadd.s32 s31, s28  }
0xb7: {  	s1 =	sor.u32 s2, s1;
	s0 =	sshll.u32 s0, $0x11  }
0xb8: {  	s0 =	sor.u32 s0, s1  }
0xb9: {  	s0 =	sadd.s32 $0x8F2B, s0  }
0xba: {  	[sflag:s0] =	ssyncadd.remote.s32 $0x1  }
0xbb: {  	_ =	sfence.sel $0xFFFF  }
0xbc: {  	[dreg:$0x0] =	wrdreg $0xFFFFFFFF;
	(pc) =	sbr.abs _section_cstart, $3  }
0xbd: {  	[dreg:$0x1] =	wrdreg $0xFFFFFFFF  }
0xbe: {  	_ =	task.clear_ibuf [dreg:s4], $0x2FFFF;
	_ =	strace $0x9FFFFFFF  }
0xbf: {  	(tm) =	ssettm $0x7FFFFFFF  }
tec
execute0_lowered:
.L_overlay_start_1:
0x0: {  	(tag) =	ssettag $0x1  }
0x1: {  	s0 =	stileid.u32  }
0x2: {  	s1 =	smin.u32 s0, $0xE  }
0x3: {  	s1 =	sadd.s32 s0, s1  }
0x4: {  	p0 =	slt.u32 s0, $0xE;
	s2 =	smul.u32 $0x28, s1;
	s1 =	simm.s32 $0x50  }
0x5: {  	s1 =	simm.s32 @!p0 $0x28  }
0x6: {  	s1 =	sadd.s32 s1, s2  }
0x7: {  	s3 =	smin.u32 s1, $0x4B0  }
0x8: {  	s7 =	ssub.s32 s3, s2  }
0x9: {  	p0 =	sgt.s32 s7, $0x0  }
0xa: {  	s7 =	simm.s32 @!p0 $0x0  }
0xb: {  	s31 =	smul.u32 $0xCCCD, s7  }
0xc: {  	s4 =	rddreg [dreg:$0x0];
	s6 =	simm.s32 $0x1  }
0xd: {  	s10 =	simm.s32 $0x3;
	s13 =	simm.s32 $0x0;
	s8 =	sshrl.u32 s31, $0x15  }
0xe: {  	s12 =	simm.s32 $0x0;
	s5 =	sadd.s32 $0x800, s4;
	s9 =	smul.u32 $0x28, s8  }
.Ltmp0:
0xf: {  	s11 =	smov.u32 s2;
	s1 =	rddreg [dreg:$0x1];
	(pc) =	sbr.rel .LBB2_1-.Ltmp0, $4  }
0x10: {  	_ =	strace $0x80000053;
	p0 =	sne.s32 s7, s9;
	s9 =	simm.s32 $0x1  }
0x11: {  	[sflag:s6] =	ssyncpa.u1 $0x0;
	s7 =	simm.s32 $0x2;
	s9 =	simm.s32 @!p0 $0x0  }
0x12: {  	[sflag:s7] =	ssyncpa.u1 $0x0;
	p0 =	por $0x0, $0x0;
	s8 =	sadd.s32 s8, s9  }
0x13: {  	vm0 =	vmmov $0xff;
	vm1 =	vcmask $0x3F20;
	s9 =	sadd.s32 $0x18000, s4;
	[sflag:s10] =	ssyncpa.u1 $0x0;
	s10 =	sadd.s32 $0x1, s8  }
.LBB2_6:
0x14: {  	[hbm:s17] =	stream.linear.scatter [tilespmem:s14], [sflag:$0x3], $0x400, $0x38;
	[tilespmem:$0x2850] =	vst v63  }
.LBB2_7:
0x15: {  	s13 =	sadd.s32 $0x28, s11  }
0x16: {  	s15 =	smov.u32 s2;
	p2 =	slt.s32 s13, s3  }
0x17: {  	s15 =	smov.u32 @p2 s13;
	p2 =	sne.s32 s12, s10  }
.Ltmp1:
0x18: {  	p1 =	slt.u32 s12, $0x2;
	(pc) =	sbr.rel @!p2 .LBB2_8-.Ltmp1, $4  }
0x19: {  	s14 =	simm.s32 @!p1 $0x3  }
0x1a: {  	s16 =	sadd.s32 $0x1, s12;
	_ =	swait.ge @!p1 [sflag:s14], $0x1400  }
0x1b: {  	p0 =	por !p0, !p0;
	s13 =	smov.u32 s11;
	[sflag:s14] =	ssyncset.done @!p1 $0x0  }
0x1c: {  	s12 =	smov.u32 s16;
	s11 =	smov.u32 s15;
	[sflag:s14] =	ssyncadd.s32 @!p1 $0xFFFFEC00  }
.LBB2_1:
0x1d: {  	p1 =	sge.u32 s12, s8  }
0x1e: {  	s14 =	sxor.u32 @!p1 $0xFFFFFFFF, s12  }
0x1f: {  	s14 =	sand.u32 @!p1 $0x1, s14  }
0x20: {  	s14 =	smul.u32 @!p1 $0xA0, s14  }
0x21: {  	s31 =	sadd.s32 $0xFFFFFFFF, s12;
	s15 =	sshrl.u32 @!p1 s11, $0x3  }
0x22: {  	s16 =	sand.u32 @!p1 $0x7, s11;
	s15 =	sadd.s32 @!p1 s4, s15;
	s14 =	sshrl.u32 @!p1 s14, $0x2  }
0x23: {  	[tilespmem:s14], [sflag:$0x2] =	stream.linear.gather @!p1 [hbm4b:s15+s16], $0x28, $0x38;
	[tilespmem:$0x2850] =	vst v63  }
0x24: {  	p1 =	sge.u32 s31, s8  }
.Ltmp2:
0x25: {  	_ = 	snop;
	(pc) =	sbr.rel @p1 .LBB2_7-.Ltmp2, $1  }
0x26: {  	_ =	sdelay $0x3  }
0x27: {  	s15 =	sand.u32 $0x1, s12  }
0x28: {  	s14 =	simm.s32 $0x1;
	s16 =	smul.u32 $0xA0, s15  }
0x29: {  	s14 =	simm.s32 @!p0 $0x0;
	s15 =	smul.u32 $0x5000, s15  }
0x2a: {  	_ =	swait.ge [sflag:s7], $0x28;
	s14 =	smul.u32 $0x5000, s14  }
0x2b: {  	s18 =	simm.s32 $0x0;
	p1 =	por $0x1, $0x1;
	[sflag:s7] =	ssyncset.done $0x0  }
0x2c: {  	[sflag:s7] =	ssyncadd.s32 $0xFFFFFFD8;
	s15 =	sshrl.u32 s15, $0x2;
	s14 =	sshrl.u32 s14, $0x2  }
0x2d: {  	s16 =	sshrl.u32 s16, $0x2;
	s17 =	sor.u32 $0x50, s15;
	s14 =	sor.u32 $0x50, s14  }
.LBB2_3:
0x2e: {  	s19 =	sshll.u32 s18, $0x4  }
0x2f: {  	s19 =	sand.u32 $0x3FFFFFF0, s19  }
0x30: {  	s19 =	sadd.s32 s19, s16  }
0x31: {  	v0 =	vld.msk [tilespmem:s19+$0x0 ss:$0x1], $0xffff;
	_ =	sdelay $0x4  }
0x32: {  	vm2 =	veq.s32 v0, $0x80000000;
	v1 =	vand.u32 $0x3, v0;
	v0 =	vshll.u32 v0, $0x7  }
0x33: {  	v1 =	vsel vm2, $0xFFFFFFFF, v1;
	v0 =	vand.u32 $0xFFE00, v0  }
0x34: {  	v0 =	vsel vm2, $0xFFFFFE00, v0;
	v2 =	vand.u32 $0xFFFFFE00, v1;
	v1 =	vshll.u32 v1, $0x7  }
0x35: {  	v0 =	vadd.s32 v2, v0;
	v1 =	vand.u32 $0x180, v1  }
0x36: {  	v0 =	vor.u32 v1, v0  }
0x37: {  	v0 =	vshrl.u32 v0, $0x3;
	_ =	sdelay $0x1  }
0x38: {  	s31 =	sshll.u32 s18, $0xB  }
0x39: {  	p2 =	por p1, p1;
	s18 =	sand.u32 $0x3FFFF800, s31  }
.Ltmp3:
0x3a: {  	s18 =	sadd.s32 s18, s17;
	(pc) =	sbr.rel @p2 .LBB2_3-.Ltmp3, $4  }
0x3b: {  	[tilespmem:s18], [sflag:$0x1] =	stream.indirect_vreg.gather [hbm:s5], $0x80, v0, vm0, $0x38;
	[tilespmem:$0x2850] =	vst v63  }
0x3c: {  	s18 =	sadd.s32 $0x400, s18  }
0x3d: {  	[tilespmem:s18], [sflag:$0x1] =	stream.indirect_vreg.gather [hbm:s5], $0x80, v0, vm1, $0x38;
	[tilespmem:$0x2850] =	vst v63  }
0x3e: {  	p1 =	por $0x0, $0x0;
	s18 =	simm.s32 $0x1  }
0x3f: {  	v0 =	vld.msk [tilespmem:s16+$0x20 ss:$0x1], $0xff;
	_ =	sdelay $0x4  }
0x40: {  	vm2 =	veq.s32 v0, $0x80000000;
	v1 =	vand.u32 $0x3, v0;
	v0 =	vshll.u32 v0, $0x7  }
0x41: {  	v1 =	vsel vm2, $0xFFFFFFFF, v1;
	v0 =	vand.u32 $0xFFE00, v0  }
0x42: {  	v0 =	vsel vm2, $0xFFFFFE00, v0;
	v2 =	vand.u32 $0xFFFFFE00, v1;
	v1 =	vshll.u32 v1, $0x7  }
0x43: {  	v0 =	vadd.s32 v2, v0;
	v1 =	vand.u32 $0x180, v1  }
0x44: {  	v0 =	vor.u32 v1, v0  }
0x45: {  	v0 =	vshrl.u32 v0, $0x3;
	_ =	sdelay $0x3  }
0x46: {  	s15 =	sadd.s32 $0x1050, s15  }
0x47: {  	[tilespmem:s15], [sflag:$0x1] =	stream.indirect_vreg.gather [hbm:s5], $0x80, v0, vm0, $0x38;
	[tilespmem:$0x2850] =	vst v63  }
0x48: {  	s13 =	sshll.u32 s13, $0x4;
	_ =	swait.ge [sflag:s6], $0x1400  }
0x49: {  	s16 =	sadd.s32 $0x400, s14;
	s13 =	sadd.s32 s13, s9;
	[sflag:s6] =	ssyncset.done $0x0  }
0x4a: {  	s17 =	sadd.s32 $0x0, s13;
	s15 =	simm.s32 $0x80;
	[sflag:s6] =	ssyncadd.s32 $0xFFFFEC00  }
.LBB2_5:
0x4b: {  	[hbm:s17] =	stream.linear.scatter [tilespmem:s14], [sflag:$0x3], $0x400, $0x38;
	[tilespmem:$0x2850] =	vst v63  }
0x4c: {  	s17 =	smov.u32 s15;
	s14 =	smov.u32 s16;
	p1 =	sne.s32 s15, $0x200  }
.Ltmp4:
0x4d: {  	s15 =	sadd.s32 $0x80, s15;
	(pc) =	sbr.rel @p1 .LBB2_5-.Ltmp4, $2  }
0x4e: {  	_ =	sdelay $0x2  }
0x4f: {  	s16 =	sadd.s32 $0x400, s16;
	s17 =	sadd.s32 s17, s13  }
.Ltmp5:
0x50: {  	_ = 	snop;
	(pc) =	sbr.rel .LBB2_6-.Ltmp5, $1  }
0x51: {  	_ =	sdelay $0x3  }
.LBB2_8:
0x52: {  	_ =	sfence.sel $0x180000  }
0x53: {  	s2 =	simm.s32 $0x2;
	[bflag:$0x0] =	sbarrier.arrive $0xFFFF  }
0x54: {  	s30 =	simm.s32 $0x3;
	[sflag:s2] =	ssyncpa.u1 $0x1  }
0x55: {  	s31 =	simm.s32 $0x1;
	[sflag:s30] =	ssyncpa.u1 $0x1  }
0x56: {  	[sflag:s31] =	ssyncpa.u1 $0x1  }
0x57: {  	p0 =	sne.s32 s0, $0x0;
	_ =	strace $0x90000053  }
0x58: {  	s0 =	sadd.s32 @!p0 $0x100000, s1;
	[bflag:$0x2] =	sbarrier.arrive $0xFFFF  }
0x59: {  	[sflag:s0] =	ssyncadd.tile.s32 @!p0 $0x1;
	_ =	shalt  }
.Lfunc_end2:
_tile_overlayer_lowered:
.L_overlay_start_2:
0x5a: {  	(tag) =	ssettag $0x2  }
0x5b: {  	s0 =	rddreg [dreg:$0x0];
	s2 =	stileid.u32  }
0x5c: {  	s1 =	rddreg [dreg:$0x1];
	p0 =	sne.s32 s2, $0x0  }
0x5d: {  	s3 =	rddreg [dreg:$0x2];
	[bflag:$0x3] =	sbarrier.arrive $0xFFFF;
	s2 =	simm.s32 @!p0 $0x1C01  }
0x5e: {  	[timem:s3], [sflag:s2] =	dma.local @!p0 [hbm:s0], s1  }
0x5f: {  	s0 =	simm.s32 @!p0 $0x1  }
0x60: {  	_ =	swait.ge @!p0 [sflag:s0], s1  }
0x61: {  	s1 =	ssub.s32 @!p0 $0x0, s1;
	[sflag:s0] =	ssyncset.done @!p0 $0x0  }
0x62: {  	[sflag:s0] =	ssyncadd.s32 @!p0 s1  }
0x63: {  	[bflag:$0x3] =	sbarrier.arrive $0xFFFF  }
0x64: {  	_ =	shalt  }

// kernel: gather_offload_async_start.3
scs
__scs_entry_jumppad:
0x0: {  	(pc) =	sbr.rel $0x88, $3  }
0x1: {  	(tag) =	ssettag $0x0;
	lr =	simm.s32 $0x1  }
0x2: {  	[smem:$0x3F9F] =	sst lr;
	_ =	strace $0xD0000000  }
0x3: {  	_ = 	snop  }
0x4: {  	_ = 	snop  }
0x5: {  	_ = 	snop  }
0x6: {  	_ = 	snop  }
0x7: {  	_ = 	snop  }
__scs_overlays_trampoline_lowered:
0x8: {  	[smem:$0x3FAE] =	sst s0  }
0x9: {  	[smem:$0x3FAF] =	sst s1  }
0xa: {  	[smem:$0x3FB0] =	sst s2  }
0xb: {  	[smem:$0x3FB1] =	sst s3  }
0xc: {  	[smem:$0x3FB2] =	sst s4  }
0xd: {  	[smem:$0x3FB3] =	sst s5  }
0xe: {  	[smem:$0x3FB4] =	sst s6  }
0xf: {  	[smem:$0x3FB5] =	sst s7  }
0x10: {  	[smem:$0x3FB6] =	sst s8  }
0x11: {  	[smem:$0x3FB7] =	sst s9;
	s0 =	simm.s32 @!p0 $0x0  }
0x12: {  	s1 =	sld [smem:$0x3F9D];
	s0 =	simm.s32 @p0 $0x1  }
0x13: {  	[smem:$0x3FB8] =	sst s0;
	s0 =	simm.s32 @!p1 $0x0  }
0x14: {  	s2 =	sld [smem:$0x3F9C];
	s0 =	simm.s32 @p1 $0x1  }
0x15: {  	[smem:$0x3FB9] =	sst s0;
	s0 =	simm.s32 @!p2 $0x0  }
0x16: {  	s3 =	sld [smem:$0x3FDB];
	s0 =	simm.s32 @p2 $0x1  }
0x17: {  	s4 =	simm.s32 $0x1BF5;
	[smem:$0x3FBB] =	sst s0  }
0x18: {  	s0 =	sld [smem:$0x3F9E];
	_ =	swait.ge [sflag:s4], $0x0  }
0x19: {  	s7 =	sld [smem:$0x3F9F]  }
0x1a: {  	s8 =	sadd.s32 $0xFFFFE003, lr  }
0x1b: {  	s9 =	sadd.s32 $0xFFFFFEF7, lr;
	s5 =	simm.s32 $0xFFFFFFFF;
	p2 =	slt.u32 s8, $0xFFFFF086  }
0x1c: {  	p1 =	slt.u32 s9, $0xF7A;
	s5 =	simm.s32 @!p2 $0x0  }
0x1d: {  	s5 =	simm.s32 @p1 $0x1;
	p0 =	seq.s32 s7, s2  }
0x1e: {  	s7 =	smul.u32 @!p0 $0xF7A, s2;
	p2 =	seq.s32 @!p0 s5, $0x0  }
0x1f: {  	s9 =	smul.u32 $0xF7A, s1;
	s8 =	simm.s32 @!p0 $0x1BF5;
	p2 =	por !p2, p0  }
0x20: {  	[sflag:s8] =	ssyncset.s32 @!p0 $0xFFFFF086;
	s6 =	sadd.s32 @!p0 s3, s7;
	s7 =	simm.s32 @!p0 $0x108  }
0x21: {  	s3 =	sadd.s32 s3, s9;
	s6 =	sadd.s32 @!p0 $0x88, s6;
	s7 =	simm.s32 @p2 $0x1082  }
0x22: {  	[simem:s7], [sflag:s8] =	dma.local @!p0 [hbm:s6], $0xF7A  }
0x23: {  	s9 =	sor.u32 $0xD0000000, s2;
	s6 =	simm.s32 $0x108;
	_ =	swait.ge @!p0 [sflag:s8], $0x0  }
0x24: {  	s3 =	sadd.s32 $0x88, s3;
	s6 =	simm.s32 @!p1 $0x1082;
	[sflag:s4] =	ssyncset.s32 $0xFFFFF086  }
0x25: {  	[simem:s6], [sflag:s4] =	dma.local [hbm:s3], $0xF7A  }
0x26: {  	[smem:$0x3F9F] =	sst s1;
	(tag) =	ssettag s2;
	_ =	strace s9  }
0x27: {  	s1 =	sld [smem:$0x3FAF]  }
0x28: {  	s2 =	sld [smem:$0x3FB0]  }
0x29: {  	s4 =	sld [smem:$0x3FB2]  }
0x2a: {  	p0 =	seq.s32 s5, $0x0;
	s5 =	sld [smem:$0x3FB3]  }
0x2b: {  	s6 =	sld [smem:$0x3FB4]  }
0x2c: {  	s7 =	sld [smem:$0x3FB5]  }
0x2d: {  	s3 =	simm.s32 $0x108;
	s8 =	sld [smem:$0x3FB6]  }
0x2e: {  	s3 =	simm.s32 @!p0 $0x1082;
	s9 =	sld [smem:$0x3FB7]  }
0x2f: {  	lr =	sadd.s32 s0, s3;
	s0 =	sld [smem:$0x3FAE]  }
0x30: {  	s3 =	sld [smem:$0x3FB1]  }
0x31: {  	[smem:$0x3FBA] =	sst s10  }
0x32: {  	s10 =	sld [smem:$0x3FB8];
	_ =	sdelay $0x3  }
0x33: {  	p0 =	seq.s32 s10, $0x1;
	s10 =	sld [smem:$0x3FBA];
	_ =	sdelay $0x3  }
0x34: {  	[smem:$0x3FBA] =	sst s10  }
0x35: {  	s10 =	sld [smem:$0x3FB9];
	_ =	sdelay $0x3  }
0x36: {  	p1 =	seq.s32 s10, $0x1;
	s10 =	sld [smem:$0x3FBA];
	_ =	sdelay $0x3  }
0x37: {  	[smem:$0x3FBA] =	sst s10  }
0x38: {  	s10 =	sld [smem:$0x3FBB]  }
0x39: {  	_ = 	snop;
	(pc) =	sbr.ind lr, $3  }
0x3a: {  	_ = 	snop  }
0x3b: {  	_ = 	snop  }
0x3c: {  	p2 =	seq.s32 s10, $0x1;
	s10 =	sld [smem:$0x3FBA]  }
0x3d: {  	_ =	shalt  }
0x3e: {  	_ =	shalt  }
0x3f: {  	_ =	shalt  }
0x40: {  	_ =	shalt  }
0x41: {  	_ =	shalt  }
0x42: {  	_ =	shalt  }
0x43: {  	_ =	shalt  }
0x44: {  	_ =	shalt  }
0x45: {  	_ =	shalt  }
0x46: {  	_ =	shalt  }
0x47: {  	_ =	shalt  }
0x48: {  	_ =	shalt  }
0x49: {  	_ =	shalt  }
0x4a: {  	_ =	shalt  }
0x4b: {  	_ =	shalt  }
0x4c: {  	_ =	shalt  }
0x4d: {  	_ =	shalt  }
0x4e: {  	_ =	shalt  }
0x4f: {  	_ =	shalt  }
0x50: {  	_ =	shalt  }
0x51: {  	_ =	shalt  }
0x52: {  	_ =	shalt  }
0x53: {  	_ =	shalt  }
0x54: {  	_ =	shalt  }
0x55: {  	_ =	shalt  }
0x56: {  	_ =	shalt  }
0x57: {  	_ =	shalt  }
0x58: {  	_ =	shalt  }
0x59: {  	_ =	shalt  }
0x5a: {  	_ =	shalt  }
0x5b: {  	_ =	shalt  }
0x5c: {  	_ =	shalt  }
0x5d: {  	_ =	shalt  }
0x5e: {  	_ =	shalt  }
0x5f: {  	_ =	shalt  }
0x60: {  	_ =	shalt  }
0x61: {  	_ =	shalt  }
0x62: {  	_ =	shalt  }
0x63: {  	_ =	shalt  }
0x64: {  	_ =	shalt  }
0x65: {  	_ =	shalt  }
0x66: {  	_ =	shalt  }
0x67: {  	_ =	shalt  }
0x68: {  	_ =	shalt  }
0x69: {  	_ =	shalt  }
0x6a: {  	_ =	shalt  }
0x6b: {  	_ =	shalt  }
0x6c: {  	_ =	shalt  }
0x6d: {  	_ =	shalt  }
0x6e: {  	_ =	shalt  }
0x6f: {  	_ =	shalt  }
0x70: {  	_ =	shalt  }
0x71: {  	_ =	shalt  }
0x72: {  	_ =	shalt  }
0x73: {  	_ =	shalt  }
0x74: {  	_ =	shalt  }
0x75: {  	_ =	shalt  }
0x76: {  	_ =	shalt  }
0x77: {  	_ =	shalt  }
0x78: {  	_ =	shalt  }
0x79: {  	_ =	shalt  }
0x7a: {  	_ =	shalt  }
0x7b: {  	_ =	shalt  }
0x7c: {  	_ =	shalt  }
0x7d: {  	_ =	shalt  }
0x7e: {  	_ =	shalt  }
0x7f: {  	_ =	shalt  }
0x80: {  	_ =	shalt  }
0x81: {  	_ =	shalt  }
0x82: {  	_ =	shalt  }
0x83: {  	_ =	shalt  }
0x84: {  	_ =	shalt  }
0x85: {  	_ =	shalt  }
0x86: {  	_ =	shalt  }
0x87: {  	_ =	shalt  }
.Lfunc_end0:
.L_simem_size_0:
called_computation.3_lowered:
.L_overlay_start_0:
0x88: {  	s0 =	sld [smem:$0x3FD9]  }
0x89: {  	s1 =	sld [smem:$0x3FFE];
	_ =	sdelay $0x3  }
0x8a: {  	s0 =	sadd.s32 s1, s0  }
0x8b: {  	[smem:$0x3FC6] =	sst s0  }
0x8c: {  	_ = 	snop  }
0x8d: {  	s0 =	sld [smem:$0x3FD0];
	(tm) =	ssettm $0x1  }
0x8e: {  	s16 =	sld [smem:$0x3FFB];
	_ =	sdelay $0x3  }
0x8f: {  	_ =	strace s16  }
0x90: {  	s1 =	sld [smem:$0x3FFC];
	_ =	sdelay $0x3  }
0x91: {  	_ =	strace s1  }
0x92: {  	s1 =	sld [smem:$0x3FFD];
	_ =	sdelay $0x3  }
0x93: {  	_ =	strace s1  }
0x94: {  	_ =	strace $0x8FFFFFFF  }
0x95: {  	s17 =	sld [smem:$0x3FDB];
	_ =	sdelay $0x1  }
0x96: {  	s2 =	simm.s32 $_scs_section_size  }
0x97: {  	s3 =	simm.s32 $_size__tile_overlayer_lowered;
	s4 =	simm.s32 $_tile_overlayer_lowered  }
0x98: {  	s20 =	simm.s32 $0x1BFF;
	s19 =	sshll.u32 s4, $0x1;
	s1 =	sadd.s32 s2, s17  }
0x99: {  	s5 =	simm.s32 $0x0;
	s18 =	sshll.u32 s3, $0x1;
	s3 =	sadd.s32 s19, s1  }
0x9a: {  	[timem:s5], [sflag:s20] =	dma.local [hbm:s3], s18  }
0x9b: {  	_ =	swait.ge [sflag:s20], s18  }
0x9c: {  	s2 =	ssub.s32 $0x0, s18;
	[sflag:s20] =	ssyncset.done $0x0  }
0x9d: {  	[sflag:s20] =	ssyncadd.s32 s2;
	_ =	sdelay $0x1  }
0x9e: {  	s21 =	simm.s32 $0x1B8B  }
0x9f: {  	_ =	swait.ge [sflag:s21], $0x1  }
0xa0: {  	[sflag:s21] =	ssyncset.done $0x0  }
0xa1: {  	s23 =	simm.s32 $0x1B8E;
	s22 =	sld [smem:$0x3FFE];
	[sflag:s21] =	ssyncadd.s32 $0xFFFFFFFF  }
0xa2: {  	s24 =	simm.s32 $execute0_lowered;
	[smem:$0x3FD2] =	sst s23  }
0xa3: {  	s3 =	sshll.u32 s24, $0x1;
	_ =	strace $0x8000004C;
	[dreg:$0x1] =	wrdreg $0xFFFFFFFF  }
0xa4: {  	s25 =	simm.s32 $_size_execute0_lowered;
	s1 =	sadd.s32 s1, s3;
	[dreg:$0x0] =	wrdreg $0x0  }
0xa5: {  	s3 =	sshll.u32 s25, $0x1;
	[dreg:$0x2] =	wrdreg s1  }
0xa6: {  	[dreg:$0x3] =	wrdreg s3  }
0xa7: {  	[dreg:$0x4] =	wrdreg $0xC0  }
0xa8: {  	_ =	task [dreg:s5], $0x5FFFF  }
0xa9: {  	[dreg:$0x1] =	wrdreg $0xFFFFFFFF  }
0xaa: {  	[dreg:$0x0] =	wrdreg $0x60  }
0xab: {  	[dreg:$0x2] =	wrdreg s0  }
0xac: {  	[dreg:$0x3] =	wrdreg s22  }
0xad: {  	[dreg:$0x4] =	wrdreg $0x9  }
0xae: {  	_ =	task.clear_ibuf [dreg:s5], $0x5FFFF;
	_ =	strace $0x9000004C  }
0xaf: {  	s26 =	simm.s32 $0x9;
	_ =	strace $0x8000004E  }
0xb0: {  	_ =	swait.ge [sflag:s26], $0x1  }
0xb1: {  	[sflag:s26] =	ssyncadd.s32 $0xFFFFFFFF  }
0xb2: {  	_ =	strace $0x9000004E  }
0xb3: {  	_ =	sfence  }
0xb4: {  	s28 =	sld [smem:$0x0];
	_ =	sdelay $0x1  }
0xb5: {  	s29 =	srdreg.scid  }
0xb6: {  	s30 =	sshll.u32 s29, $0xD;
	s31 =	sshrl.u32 s29, $0x2  }
0xb7: {  	s2 =	sand.u32 $0x4000, s30;
	s1 =	sand.u32 $0x1, s29;
	s0 =	sadd.s32 s31, s28  }
0xb8: {  	s1 =	sor.u32 s2, s1;
	s0 =	sshll.u32 s0, $0x11  }
0xb9: {  	s0 =	sor.u32 s0, s1  }
0xba: {  	s0 =	sadd.s32 $0x8F2B, s0  }
0xbb: {  	[sflag:s0] =	ssyncadd.remote.s32 $0x1  }
0xbc: {  	_ =	sfence.sel $0xFFFF  }
0xbd: {  	[dreg:$0x0] =	wrdreg $0xFFFFFFFF;
	(pc) =	sbr.abs _section_cstart, $3  }
0xbe: {  	[dreg:$0x1] =	wrdreg $0xFFFFFFFF  }
0xbf: {  	_ =	task.clear_ibuf [dreg:s5], $0x2FFFF;
	_ =	strace $0x9FFFFFFF  }
0xc0: {  	(tm) =	ssettm $0x7FFFFFFF  }
0xc1: {  	_ =	shalt  }
tec
execute0_lowered:
.L_overlay_start_1:
0x0: {  	(tag) =	ssettag $0x1  }
0x1: {  	s2 =	rddreg [dreg:$0x0]  }
0x2: {  	s3 =	rddreg [dreg:$0x1]  }
0x3: {  	s0 =	rddreg [dreg:$0x2];
	_ =	strace $0x8000004D;
	s4 =	simm.s32 $0x1  }
0x4: {  	s1 =	stileid.u32;
	s7 =	simm.s32 $0x1;
	s8 =	simm.s32 $0x1  }
0x5: {  	s6 =	simm.s32 $0x2;
	s9 =	simm.s32 $0x3;
	s10 =	simm.s32 $0x0  }
.Ltmp0:
0x6: {  	s13 =	simm.s32 $0x0;
	p0 =	slt.u32 s1, $0xA;
	(pc) =	sbr.rel .LBB2_1-.Ltmp0, $4  }
0x7: {  	[sflag:s4] =	ssyncpa.u1 $0x0;
	s7 =	simm.s32 @!p0 $0x0;
	p0 =	sne.s32 s1, $0x9  }
0x8: {  	s5 =	smul.u32 $0x30, s1;
	[sflag:s6] =	ssyncpa.u1 $0x0;
	s8 =	simm.s32 @!p0 $0x0  }
0x9: {  	s12 =	simm.s32 $0x0;
	[sflag:s9] =	ssyncpa.u1 $0x0;
	s7 =	sadd.s32 s8, s7  }
0xa: {  	vm0 =	vmmov $0xffff;
	s11 =	smov.u32 s5;
	s8 =	sadd.s32 $0x200, s3;
	s9 =	sadd.s32 $0x1, s7  }
.LBB2_4:
0xb: {  	v3 =	vmul.u32 $0x1800, v3;
	v4 =	vshll.u32 v1, $0x2  }
0xc: {  	v2 =	vshll.u32 v2, $0x7;
	v4 =	vand.u32 $0xFFFFFE00, v4  }
0xd: {  	v2 =	vand.u32 $0x180, v2;
	v3 =	vadd.s32 v3, v4  }
0xe: {  	v63 =	vand.u32 $0x7F, v1;
	v2 =	vor.u32 v2, v3  }
0xf: {  	v1 =	vor.u32 v63, v2;
	_ =	sdelay $0x2  }
0x10: {  	[tilespmem:s15], [sflag:$0x1] =	stream.indirect_vreg.gather [hbm4b:s2+s10], $0x1, v0, vm0, $0x4038;
	[tilespmem:$0xC0] =	vst v63  }
0x11: {  	(ifvalue) =	ssetifvalue $0x7FFFFFFF;
	s29 =	sadd.s32 $0x10, s15  }
0x12: {  	[tilespmem:s29], [sflag:$0x1] =	stream.indirect_vreg.gather [hbm4b:s2+s10], $0x1, v1, vm0, $0x4038;
	[tilespmem:$0xC0] =	vst v63  }
0x13: {  	_ =	swait.ge [sflag:s4], $0x30  }
0x14: {  	s30 =	sshrl.u32 s13, $0x3;
	[sflag:s4] =	ssyncset.done $0x0  }
0x15: {  	s31 =	sand.u32 $0x7, s13;
	s15 =	sadd.s32 s8, s30;
	[sflag:s4] =	ssyncadd.s32 $0xFFFFFFD0  }
0x16: {  	[hbm4b:s15+s31] =	stream.linear.scatter [tilespmem:s14], [sflag:$0x3], $0x30, $0x38;
	[tilespmem:$0xC0] =	vst v63  }
.LBB2_5:
0x17: {  	s15 =	sadd.s32 $0x300, s11  }
0x18: {  	p1 =	sgt.s32 s15, $0x4AF  }
0x19: {  	s15 =	smov.u32 @p1 s5;
	p1 =	sne.s32 s12, s9  }
.Ltmp1:
0x1a: {  	p0 =	slt.u32 s12, $0x2;
	(pc) =	sbr.rel @!p1 .LBB2_6-.Ltmp1, $4  }
0x1b: {  	s14 =	simm.s32 @!p0 $0x3  }
0x1c: {  	_ =	swait.ge @!p0 [sflag:s14], $0x30  }
0x1d: {  	s16 =	sadd.s32 $0x1, s12;
	s13 =	smov.u32 s11;
	[sflag:s14] =	ssyncset.done @!p0 $0x0  }
0x1e: {  	s12 =	smov.u32 s16;
	s11 =	smov.u32 s15;
	[sflag:s14] =	ssyncadd.s32 @!p0 $0xFFFFFFD0  }
.LBB2_1:
0x1f: {  	p0 =	sge.u32 s12, s7  }
0x20: {  	s14 =	sxor.u32 @!p0 $0x1, s12  }
0x21: {  	s14 =	smul.u32 @!p0 $0xC0, s14  }
0x22: {  	s31 =	sadd.s32 $0xFFFFFFFF, s12;
	s15 =	sshrl.u32 @!p0 s11, $0x3  }
0x23: {  	s16 =	sand.u32 @!p0 $0x7, s11;
	s15 =	sadd.s32 @!p0 s3, s15;
	s14 =	sshra.s32 @!p0 s14, $0x2  }
0x24: {  	[tilespmem:s14], [sflag:$0x2] =	stream.linear.gather @!p0 [hbm4b:s15+s16], $0x30, $0x38;
	[tilespmem:$0xC0] =	vst v63  }
0x25: {  	p0 =	sge.u32 s31, s7  }
.Ltmp2:
0x26: {  	_ = 	snop;
	(pc) =	sbr.rel @p0 .LBB2_5-.Ltmp2, $1  }
0x27: {  	_ =	sdelay $0x3  }
0x28: {  	s14 =	sand.u32 $0x1, s12  }
0x29: {  	_ =	swait.ge [sflag:s6], $0x30;
	p0 =	seq.s32 s14, $0x1;
	s14 =	simm.s32 $0x30  }
0x2a: {  	[sflag:s6] =	ssyncset.done $0x0;
	s14 =	simm.s32 @!p0 $0x0  }
0x2b: {  	[sflag:s6] =	ssyncadd.s32 $0xFFFFFFD0;
	(ifvalue) =	ssetifvalue $0x7FFFFFFF;
	v0 =	vld.msk [tilespmem:s14+$0x0 ss:$0x1], $0xffff;
	_ =	sdelay $0x4  }
0x2c: {  	vm1 =	veq.s32 v0, $0x80000000;
	v1 =	vand.u32 $0x3, v0;
	v0 =	vshrl.u32 v0, $0x2  }
0x2d: {  	v1 =	vsel vm1, $0xFFFFFFFF, v1;
	v0 =	vand.u32 $0x7FF, v0  }
0x2e: {  	v0 =	vsel vm1, $0xFFFFFFFF, v0;
	v2 =	vshrl.u32 v1, $0x2  }
0x2f: {  	s15 =	sadd.s32 $0x10, s14;
	v2 =	vmul.u32 $0x1800, v2;
	v4 =	vshll.u32 v0, $0x2  }
0x30: {  	v3 =	vld.msk [tilespmem:s15+$0x0 ss:$0x1], $0xffff;
	v1 =	vshll.u32 v1, $0x7;
	v4 =	vand.u32 $0xFFFFFE00, v4  }
0x31: {  	v1 =	vand.u32 $0x180, v1;
	v2 =	vadd.s32 v2, v4  }
0x32: {  	v0 =	vand.u32 $0x7F, v0;
	v1 =	vor.u32 v1, v2  }
0x33: {  	v0 =	vor.u32 v0, v1;
	_ =	sdelay $0x1  }
0x34: {  	vm1 =	veq.s32 v3, $0x80000000;
	v2 =	vand.u32 $0x3, v3;
	v3 =	vshrl.u32 v3, $0x2  }
0x35: {  	s16 =	simm.s32 $0x10;
	s14 =	sadd.s32 $0x60, s14;
	v2 =	vsel vm1, $0xFFFFFFFF, v2;
	v3 =	vand.u32 $0x7FF, v3  }
0x36: {  	s17 =	sadd.s32 $0x10, s15;
	(ifvalue) =	ssetifvalue $0x7FFFFFFF;
	s15 =	smov.u32 s14;
	v1 =	vsel vm1, $0xFFFFFFFF, v3;
	v3 =	vshrl.u32 v2, $0x2  }
.LBB2_3:
0x37: {  	v4 =	vld.msk [tilespmem:s17+$0x0 ss:$0x1], $0xffff;
	v3 =	vmul.u32 $0x1800, v3;
	v5 =	vshll.u32 v1, $0x2;
	[tilespmem:s15], [sflag:$0x1] =	stream.indirect_vreg.gather [hbm4b:s2+s10], $0x1, v0, vm0, $0x4038  }
0x38: {  	s16 =	sadd.s32 $0x10, s16;
	v2 =	vshll.u32 v2, $0x7;
	v0 =	vand.u32 $0xFFFFFE00, v5  }
0x39: {  	p0 =	slt.u32 s16, $0x20;
	v2 =	vand.u32 $0x180, v2;
	v0 =	vadd.s32 v3, v0  }
0x3a: {  	v1 =	vand.u32 $0x7F, v1;
	v0 =	vor.u32 v2, v0  }
.Ltmp3:
0x3b: {  	v0 =	vor.u32 v1, v0;
	(pc) =	sbr.rel @p0 .LBB2_3-.Ltmp3, $4  }
0x3c: {  	_ = 	snop  }
0x3d: {  	vm1 =	veq.s32 v4, $0x80000000;
	v1 =	vand.u32 $0x3, v4;
	v3 =	vshrl.u32 v4, $0x2  }
0x3e: {  	v2 =	vsel vm1, $0xFFFFFFFF, v1;
	v1 =	vand.u32 $0x7FF, v3  }
0x3f: {  	s17 =	sadd.s32 $0x10, s17;
	s15 =	sadd.s32 $0x10, s15;
	v1 =	vsel vm1, $0xFFFFFFFF, v1;
	v3 =	vshrl.u32 v2, $0x2;
	(ifvalue) =	ssetifvalue $0x7FFFFFFF  }
.Ltmp4:
0x40: {  	_ = 	snop;
	(pc) =	sbr.rel .LBB2_4-.Ltmp4, $1  }
0x41: {  	_ =	sdelay $0x3  }
.LBB2_6:
0x42: {  	_ =	sfence.sel $0x180000  }
0x43: {  	s2 =	simm.s32 $0x2;
	[bflag:$0x0] =	sbarrier.arrive $0xFFFF  }
0x44: {  	s30 =	simm.s32 $0x3;
	[sflag:s2] =	ssyncpa.u1 $0x1  }
0x45: {  	s31 =	simm.s32 $0x1;
	[sflag:s30] =	ssyncpa.u1 $0x1  }
0x46: {  	[sflag:s31] =	ssyncpa.u1 $0x1  }
0x47: {  	p0 =	sne.s32 s1, $0x0;
	_ =	strace $0x9000004D  }
0x48: {  	s0 =	sadd.s32 @!p0 $0x100000, s0;
	[bflag:$0x2] =	sbarrier.arrive $0xFFFF  }
0x49: {  	[sflag:s0] =	ssyncadd.tile.s32 @!p0 $0x1;
	_ =	shalt  }
.Lfunc_end2:
_tile_overlayer_lowered:
.L_overlay_start_2:
0x4a: {  	(tag) =	ssettag $0x2  }
0x4b: {  	s0 =	rddreg [dreg:$0x0];
	s2 =	stileid.u32  }
0x4c: {  	s1 =	rddreg [dreg:$0x1];
	p0 =	sne.s32 s2, $0x0  }
0x4d: {  	s3 =	rddreg [dreg:$0x2];
	[bflag:$0x3] =	sbarrier.arrive $0xFFFF;
	s2 =	simm.s32 @!p0 $0x1C01  }
0x4e: {  	[timem:s3], [sflag:s2] =	dma.local @!p0 [hbm:s0], s1  }
0x4f: {  	s0 =	simm.s32 @!p0 $0x1  }
0x50: {  	_ =	swait.ge @!p0 [sflag:s0], s1  }
0x51: {  	s1 =	ssub.s32 @!p0 $0x0, s1;
	[sflag:s0] =	ssyncset.done @!p0 $0x0  }
0x52: {  	[sflag:s0] =	ssyncadd.s32 @!p0 s1  }
0x53: {  	[bflag:$0x3] =	sbarrier.arrive $0xFFFF  }
0x54: {  	_ =	shalt  }

// kernel: gather_offload_async_start.4
scs
__scs_entry_jumppad:
0x0: {  	(pc) =	sbr.rel $0x88, $3  }
0x1: {  	(tag) =	ssettag $0x0;
	lr =	simm.s32 $0x1  }
0x2: {  	[smem:$0x3F9F] =	sst lr;
	_ =	strace $0xD0000000  }
0x3: {  	_ = 	snop  }
0x4: {  	_ = 	snop  }
0x5: {  	_ = 	snop  }
0x6: {  	_ = 	snop  }
0x7: {  	_ = 	snop  }
__scs_overlays_trampoline_lowered:
0x8: {  	[smem:$0x3FAE] =	sst s0  }
0x9: {  	[smem:$0x3FAF] =	sst s1  }
0xa: {  	[smem:$0x3FB0] =	sst s2  }
0xb: {  	[smem:$0x3FB1] =	sst s3  }
0xc: {  	[smem:$0x3FB2] =	sst s4  }
0xd: {  	[smem:$0x3FB3] =	sst s5  }
0xe: {  	[smem:$0x3FB4] =	sst s6  }
0xf: {  	[smem:$0x3FB5] =	sst s7  }
0x10: {  	[smem:$0x3FB6] =	sst s8  }
0x11: {  	[smem:$0x3FB7] =	sst s9;
	s0 =	simm.s32 @!p0 $0x0  }
0x12: {  	s1 =	sld [smem:$0x3F9D];
	s0 =	simm.s32 @p0 $0x1  }
0x13: {  	[smem:$0x3FB8] =	sst s0;
	s0 =	simm.s32 @!p1 $0x0  }
0x14: {  	s2 =	sld [smem:$0x3F9C];
	s0 =	simm.s32 @p1 $0x1  }
0x15: {  	[smem:$0x3FB9] =	sst s0;
	s0 =	simm.s32 @!p2 $0x0  }
0x16: {  	s3 =	sld [smem:$0x3FDB];
	s0 =	simm.s32 @p2 $0x1  }
0x17: {  	s4 =	simm.s32 $0x1BF5;
	[smem:$0x3FBB] =	sst s0  }
0x18: {  	s0 =	sld [smem:$0x3F9E];
	_ =	swait.ge [sflag:s4], $0x0  }
0x19: {  	s7 =	sld [smem:$0x3F9F]  }
0x1a: {  	s8 =	sadd.s32 $0xFFFFE003, lr  }
0x1b: {  	s9 =	sadd.s32 $0xFFFFFEF7, lr;
	s5 =	simm.s32 $0xFFFFFFFF;
	p2 =	slt.u32 s8, $0xFFFFF086  }
0x1c: {  	p1 =	slt.u32 s9, $0xF7A;
	s5 =	simm.s32 @!p2 $0x0  }
0x1d: {  	s5 =	simm.s32 @p1 $0x1;
	p0 =	seq.s32 s7, s2  }
0x1e: {  	s7 =	smul.u32 @!p0 $0xF7A, s2;
	p2 =	seq.s32 @!p0 s5, $0x0  }
0x1f: {  	s9 =	smul.u32 $0xF7A, s1;
	s8 =	simm.s32 @!p0 $0x1BF5;
	p2 =	por !p2, p0  }
0x20: {  	[sflag:s8] =	ssyncset.s32 @!p0 $0xFFFFF086;
	s6 =	sadd.s32 @!p0 s3, s7;
	s7 =	simm.s32 @!p0 $0x108  }
0x21: {  	s3 =	sadd.s32 s3, s9;
	s6 =	sadd.s32 @!p0 $0x88, s6;
	s7 =	simm.s32 @p2 $0x1082  }
0x22: {  	[simem:s7], [sflag:s8] =	dma.local @!p0 [hbm:s6], $0xF7A  }
0x23: {  	s9 =	sor.u32 $0xD0000000, s2;
	s6 =	simm.s32 $0x108;
	_ =	swait.ge @!p0 [sflag:s8], $0x0  }
0x24: {  	s3 =	sadd.s32 $0x88, s3;
	s6 =	simm.s32 @!p1 $0x1082;
	[sflag:s4] =	ssyncset.s32 $0xFFFFF086  }
0x25: {  	[simem:s6], [sflag:s4] =	dma.local [hbm:s3], $0xF7A  }
0x26: {  	[smem:$0x3F9F] =	sst s1;
	(tag) =	ssettag s2;
	_ =	strace s9  }
0x27: {  	s1 =	sld [smem:$0x3FAF]  }
0x28: {  	s2 =	sld [smem:$0x3FB0]  }
0x29: {  	s4 =	sld [smem:$0x3FB2]  }
0x2a: {  	p0 =	seq.s32 s5, $0x0;
	s5 =	sld [smem:$0x3FB3]  }
0x2b: {  	s6 =	sld [smem:$0x3FB4]  }
0x2c: {  	s7 =	sld [smem:$0x3FB5]  }
0x2d: {  	s3 =	simm.s32 $0x108;
	s8 =	sld [smem:$0x3FB6]  }
0x2e: {  	s3 =	simm.s32 @!p0 $0x1082;
	s9 =	sld [smem:$0x3FB7]  }
0x2f: {  	lr =	sadd.s32 s0, s3;
	s0 =	sld [smem:$0x3FAE]  }
0x30: {  	s3 =	sld [smem:$0x3FB1]  }
0x31: {  	[smem:$0x3FBA] =	sst s10  }
0x32: {  	s10 =	sld [smem:$0x3FB8];
	_ =	sdelay $0x3  }
0x33: {  	p0 =	seq.s32 s10, $0x1;
	s10 =	sld [smem:$0x3FBA];
	_ =	sdelay $0x3  }
0x34: {  	[smem:$0x3FBA] =	sst s10  }
0x35: {  	s10 =	sld [smem:$0x3FB9];
	_ =	sdelay $0x3  }
0x36: {  	p1 =	seq.s32 s10, $0x1;
	s10 =	sld [smem:$0x3FBA];
	_ =	sdelay $0x3  }
0x37: {  	[smem:$0x3FBA] =	sst s10  }
0x38: {  	s10 =	sld [smem:$0x3FBB]  }
0x39: {  	_ = 	snop;
	(pc) =	sbr.ind lr, $3  }
0x3a: {  	_ = 	snop  }
0x3b: {  	_ = 	snop  }
0x3c: {  	p2 =	seq.s32 s10, $0x1;
	s10 =	sld [smem:$0x3FBA]  }
0x3d: {  	_ =	shalt  }
0x3e: {  	_ =	shalt  }
0x3f: {  	_ =	shalt  }
0x40: {  	_ =	shalt  }
0x41: {  	_ =	shalt  }
0x42: {  	_ =	shalt  }
0x43: {  	_ =	shalt  }
0x44: {  	_ =	shalt  }
0x45: {  	_ =	shalt  }
0x46: {  	_ =	shalt  }
0x47: {  	_ =	shalt  }
0x48: {  	_ =	shalt  }
0x49: {  	_ =	shalt  }
0x4a: {  	_ =	shalt  }
0x4b: {  	_ =	shalt  }
0x4c: {  	_ =	shalt  }
0x4d: {  	_ =	shalt  }
0x4e: {  	_ =	shalt  }
0x4f: {  	_ =	shalt  }
0x50: {  	_ =	shalt  }
0x51: {  	_ =	shalt  }
0x52: {  	_ =	shalt  }
0x53: {  	_ =	shalt  }
0x54: {  	_ =	shalt  }
0x55: {  	_ =	shalt  }
0x56: {  	_ =	shalt  }
0x57: {  	_ =	shalt  }
0x58: {  	_ =	shalt  }
0x59: {  	_ =	shalt  }
0x5a: {  	_ =	shalt  }
0x5b: {  	_ =	shalt  }
0x5c: {  	_ =	shalt  }
0x5d: {  	_ =	shalt  }
0x5e: {  	_ =	shalt  }
0x5f: {  	_ =	shalt  }
0x60: {  	_ =	shalt  }
0x61: {  	_ =	shalt  }
0x62: {  	_ =	shalt  }
0x63: {  	_ =	shalt  }
0x64: {  	_ =	shalt  }
0x65: {  	_ =	shalt  }
0x66: {  	_ =	shalt  }
0x67: {  	_ =	shalt  }
0x68: {  	_ =	shalt  }
0x69: {  	_ =	shalt  }
0x6a: {  	_ =	shalt  }
0x6b: {  	_ =	shalt  }
0x6c: {  	_ =	shalt  }
0x6d: {  	_ =	shalt  }
0x6e: {  	_ =	shalt  }
0x6f: {  	_ =	shalt  }
0x70: {  	_ =	shalt  }
0x71: {  	_ =	shalt  }
0x72: {  	_ =	shalt  }
0x73: {  	_ =	shalt  }
0x74: {  	_ =	shalt  }
0x75: {  	_ =	shalt  }
0x76: {  	_ =	shalt  }
0x77: {  	_ =	shalt  }
0x78: {  	_ =	shalt  }
0x79: {  	_ =	shalt  }
0x7a: {  	_ =	shalt  }
0x7b: {  	_ =	shalt  }
0x7c: {  	_ =	shalt  }
0x7d: {  	_ =	shalt  }
0x7e: {  	_ =	shalt  }
0x7f: {  	_ =	shalt  }
0x80: {  	_ =	shalt  }
0x81: {  	_ =	shalt  }
0x82: {  	_ =	shalt  }
0x83: {  	_ =	shalt  }
0x84: {  	_ =	shalt  }
0x85: {  	_ =	shalt  }
0x86: {  	_ =	shalt  }
0x87: {  	_ =	shalt  }
.Lfunc_end0:
.L_simem_size_0:
called_computation.4_lowered:
.L_overlay_start_0:
0x88: {  	s0 =	sld [smem:$0x3FD9]  }
0x89: {  	s1 =	sld [smem:$0x3FFE];
	_ =	sdelay $0x3  }
0x8a: {  	s0 =	sadd.s32 s1, s0  }
0x8b: {  	[smem:$0x3FC6] =	sst s0  }
0x8c: {  	_ = 	snop  }
0x8d: {  	s0 =	sld [smem:$0x3FD0];
	(tm) =	ssettm $0x1  }
0x8e: {  	s16 =	sld [smem:$0x3FFB];
	_ =	sdelay $0x3  }
0x8f: {  	_ =	strace s16  }
0x90: {  	s1 =	sld [smem:$0x3FFC];
	_ =	sdelay $0x3  }
0x91: {  	_ =	strace s1  }
0x92: {  	s1 =	sld [smem:$0x3FFD];
	_ =	sdelay $0x3  }
0x93: {  	_ =	strace s1  }
0x94: {  	_ =	strace $0x8FFFFFFF  }
0x95: {  	s17 =	sld [smem:$0x3FDB];
	_ =	sdelay $0x1  }
0x96: {  	s2 =	simm.s32 $_scs_section_size  }
0x97: {  	s3 =	simm.s32 $_size__tile_overlayer_lowered;
	s4 =	simm.s32 $_tile_overlayer_lowered  }
0x98: {  	s20 =	simm.s32 $0x1BFF;
	s19 =	sshll.u32 s4, $0x1;
	s1 =	sadd.s32 s2, s17  }
0x99: {  	s5 =	simm.s32 $0x0;
	s18 =	sshll.u32 s3, $0x1;
	s3 =	sadd.s32 s19, s1  }
0x9a: {  	[timem:s5], [sflag:s20] =	dma.local [hbm:s3], s18  }
0x9b: {  	_ =	swait.ge [sflag:s20], s18  }
0x9c: {  	s2 =	ssub.s32 $0x0, s18;
	[sflag:s20] =	ssyncset.done $0x0  }
0x9d: {  	[sflag:s20] =	ssyncadd.s32 s2;
	_ =	sdelay $0x1  }
0x9e: {  	s21 =	simm.s32 $0x1B8B  }
0x9f: {  	_ =	swait.ge [sflag:s21], $0x1  }
0xa0: {  	[sflag:s21] =	ssyncset.done $0x0  }
0xa1: {  	s23 =	simm.s32 $0x1B8E;
	s22 =	sld [smem:$0x3FFE];
	[sflag:s21] =	ssyncadd.s32 $0xFFFFFFFF  }
0xa2: {  	s24 =	simm.s32 $execute0_lowered;
	[smem:$0x3FD2] =	sst s23  }
0xa3: {  	s3 =	sshll.u32 s24, $0x1;
	_ =	strace $0x8000004F;
	[dreg:$0x1] =	wrdreg $0xFFFFFFFF  }
0xa4: {  	s25 =	simm.s32 $_size_execute0_lowered;
	s1 =	sadd.s32 s1, s3;
	[dreg:$0x0] =	wrdreg $0x0  }
0xa5: {  	s3 =	sshll.u32 s25, $0x1;
	[dreg:$0x2] =	wrdreg s1  }
0xa6: {  	[dreg:$0x3] =	wrdreg s3  }
0xa7: {  	[dreg:$0x4] =	wrdreg $0xC0  }
0xa8: {  	_ =	task [dreg:s5], $0x5FFFF  }
0xa9: {  	[dreg:$0x1] =	wrdreg $0xFFFFFFFF  }
0xaa: {  	[dreg:$0x0] =	wrdreg $0x60  }
0xab: {  	[dreg:$0x2] =	wrdreg s22  }
0xac: {  	[dreg:$0x3] =	wrdreg s0  }
0xad: {  	[dreg:$0x4] =	wrdreg $0x9  }
0xae: {  	_ =	task.clear_ibuf [dreg:s5], $0x5FFFF;
	_ =	strace $0x9000004F  }
0xaf: {  	s26 =	simm.s32 $0x9;
	_ =	strace $0x80000051  }
0xb0: {  	_ =	swait.ge [sflag:s26], $0x1  }
0xb1: {  	[sflag:s26] =	ssyncadd.s32 $0xFFFFFFFF  }
0xb2: {  	_ =	strace $0x90000051  }
0xb3: {  	_ =	sfence  }
0xb4: {  	s28 =	sld [smem:$0x0];
	_ =	sdelay $0x1  }
0xb5: {  	s29 =	srdreg.scid  }
0xb6: {  	s30 =	sshll.u32 s29, $0xD;
	s31 =	sshrl.u32 s29, $0x2  }
0xb7: {  	s2 =	sand.u32 $0x4000, s30;
	s1 =	sand.u32 $0x1, s29;
	s0 =	sadd.s32 s31, s28  }
0xb8: {  	s1 =	sor.u32 s2, s1;
	s0 =	sshll.u32 s0, $0x11  }
0xb9: {  	s0 =	sor.u32 s0, s1  }
0xba: {  	s0 =	sadd.s32 $0x8F2B, s0  }
0xbb: {  	[sflag:s0] =	ssyncadd.remote.s32 $0x1  }
0xbc: {  	_ =	sfence.sel $0xFFFF  }
0xbd: {  	[dreg:$0x0] =	wrdreg $0xFFFFFFFF;
	(pc) =	sbr.abs _section_cstart, $3  }
0xbe: {  	[dreg:$0x1] =	wrdreg $0xFFFFFFFF  }
0xbf: {  	_ =	task.clear_ibuf [dreg:s5], $0x2FFFF;
	_ =	strace $0x9FFFFFFF  }
0xc0: {  	(tm) =	ssettm $0x7FFFFFFF  }
0xc1: {  	_ =	shalt  }
tec
execute0_lowered:
.L_overlay_start_1:
0x0: {  	(tag) =	ssettag $0x1  }
0x1: {  	s2 =	rddreg [dreg:$0x0]  }
0x2: {  	s3 =	rddreg [dreg:$0x1]  }
0x3: {  	s0 =	rddreg [dreg:$0x2];
	_ =	strace $0x80000050;
	s4 =	simm.s32 $0x1  }
0x4: {  	s1 =	stileid.u32;
	s7 =	simm.s32 $0x1;
	s8 =	simm.s32 $0x1  }
0x5: {  	s6 =	simm.s32 $0x2;
	s9 =	simm.s32 $0x3;
	s10 =	simm.s32 $0x0  }
.Ltmp0:
0x6: {  	s13 =	simm.s32 $0x0;
	p0 =	slt.u32 s1, $0xA;
	(pc) =	sbr.rel .LBB2_1-.Ltmp0, $4  }
0x7: {  	[sflag:s4] =	ssyncpa.u1 $0x0;
	s7 =	simm.s32 @!p0 $0x0;
	p0 =	sne.s32 s1, $0x9  }
0x8: {  	s5 =	smul.u32 $0x30, s1;
	[sflag:s6] =	ssyncpa.u1 $0x0;
	s8 =	simm.s32 @!p0 $0x0  }
0x9: {  	s12 =	simm.s32 $0x0;
	[sflag:s9] =	ssyncpa.u1 $0x0;
	s7 =	sadd.s32 s8, s7  }
0xa: {  	vm0 =	vmmov $0xffff;
	s11 =	smov.u32 s5;
	s8 =	sadd.s32 $0x400, s2;
	s9 =	sadd.s32 $0x1, s7  }
.LBB2_4:
0xb: {  	v3 =	vmul.u32 $0x1800, v3;
	v4 =	vshll.u32 v1, $0x2  }
0xc: {  	v2 =	vshll.u32 v2, $0x7;
	v4 =	vand.u32 $0xFFFFFE00, v4  }
0xd: {  	v2 =	vand.u32 $0x180, v2;
	v3 =	vadd.s32 v3, v4  }
0xe: {  	v63 =	vand.u32 $0x7F, v1;
	v2 =	vor.u32 v2, v3  }
0xf: {  	v1 =	vor.u32 v63, v2;
	_ =	sdelay $0x2  }
0x10: {  	[tilespmem:s15], [sflag:$0x1] =	stream.indirect_vreg.gather [hbm4b:s8+s10], $0x1, v0, vm0, $0x4038;
	[tilespmem:$0xC0] =	vst v63  }
0x11: {  	(ifvalue) =	ssetifvalue $0x7FFFFFFF;
	s29 =	sadd.s32 $0x10, s15  }
0x12: {  	[tilespmem:s29], [sflag:$0x1] =	stream.indirect_vreg.gather [hbm4b:s8+s10], $0x1, v1, vm0, $0x4038;
	[tilespmem:$0xC0] =	vst v63  }
0x13: {  	_ =	swait.ge [sflag:s4], $0x30  }
0x14: {  	s30 =	sshrl.u32 s13, $0x3;
	[sflag:s4] =	ssyncset.done $0x0  }
0x15: {  	s31 =	sand.u32 $0x7, s13;
	s15 =	sadd.s32 s3, s30;
	[sflag:s4] =	ssyncadd.s32 $0xFFFFFFD0  }
0x16: {  	[hbm4b:s15+s31] =	stream.linear.scatter [tilespmem:s14], [sflag:$0x3], $0x30, $0x38;
	[tilespmem:$0xC0] =	vst v63  }
.LBB2_5:
0x17: {  	s15 =	sadd.s32 $0x300, s11  }
0x18: {  	p1 =	sgt.s32 s15, $0x4AF  }
0x19: {  	s15 =	smov.u32 @p1 s5;
	p1 =	sne.s32 s12, s9  }
.Ltmp1:
0x1a: {  	p0 =	slt.u32 s12, $0x2;
	(pc) =	sbr.rel @!p1 .LBB2_6-.Ltmp1, $4  }
0x1b: {  	s14 =	simm.s32 @!p0 $0x3  }
0x1c: {  	_ =	swait.ge @!p0 [sflag:s14], $0x30  }
0x1d: {  	s16 =	sadd.s32 $0x1, s12;
	s13 =	smov.u32 s11;
	[sflag:s14] =	ssyncset.done @!p0 $0x0  }
0x1e: {  	s12 =	smov.u32 s16;
	s11 =	smov.u32 s15;
	[sflag:s14] =	ssyncadd.s32 @!p0 $0xFFFFFFD0  }
.LBB2_1:
0x1f: {  	p0 =	sge.u32 s12, s7  }
0x20: {  	s14 =	sxor.u32 @!p0 $0x1, s12  }
0x21: {  	s14 =	smul.u32 @!p0 $0xC0, s14  }
0x22: {  	s31 =	sadd.s32 $0xFFFFFFFF, s12;
	s15 =	sshrl.u32 @!p0 s11, $0x3  }
0x23: {  	s16 =	sand.u32 @!p0 $0x7, s11;
	s15 =	sadd.s32 @!p0 s2, s15;
	s14 =	sshra.s32 @!p0 s14, $0x2  }
0x24: {  	[tilespmem:s14], [sflag:$0x2] =	stream.linear.gather @!p0 [hbm4b:s15+s16], $0x30, $0x38;
	[tilespmem:$0xC0] =	vst v63  }
0x25: {  	p0 =	sge.u32 s31, s7  }
.Ltmp2:
0x26: {  	_ = 	snop;
	(pc) =	sbr.rel @p0 .LBB2_5-.Ltmp2, $1  }
0x27: {  	_ =	sdelay $0x3  }
0x28: {  	s14 =	sand.u32 $0x1, s12  }
0x29: {  	_ =	swait.ge [sflag:s6], $0x30;
	p0 =	seq.s32 s14, $0x1;
	s14 =	simm.s32 $0x30  }
0x2a: {  	[sflag:s6] =	ssyncset.done $0x0;
	s14 =	simm.s32 @!p0 $0x0  }
0x2b: {  	[sflag:s6] =	ssyncadd.s32 $0xFFFFFFD0;
	(ifvalue) =	ssetifvalue $0x7FFFFFFF;
	v0 =	vld.msk [tilespmem:s14+$0x0 ss:$0x1], $0xffff;
	_ =	sdelay $0x4  }
0x2c: {  	vm1 =	veq.s32 v0, $0x80000000;
	v1 =	vand.u32 $0x3, v0;
	v0 =	vshrl.u32 v0, $0x2  }
0x2d: {  	v1 =	vsel vm1, $0xFFFFFFFF, v1;
	v0 =	vand.u32 $0x7FF, v0  }
0x2e: {  	v0 =	vsel vm1, $0xFFFFFFFF, v0;
	v2 =	vshrl.u32 v1, $0x2  }
0x2f: {  	s15 =	sadd.s32 $0x10, s14;
	v2 =	vmul.u32 $0x1800, v2;
	v4 =	vshll.u32 v0, $0x2  }
0x30: {  	v3 =	vld.msk [tilespmem:s15+$0x0 ss:$0x1], $0xffff;
	v1 =	vshll.u32 v1, $0x7;
	v4 =	vand.u32 $0xFFFFFE00, v4  }
0x31: {  	v1 =	vand.u32 $0x180, v1;
	v2 =	vadd.s32 v2, v4  }
0x32: {  	v0 =	vand.u32 $0x7F, v0;
	v1 =	vor.u32 v1, v2  }
0x33: {  	v0 =	vor.u32 v0, v1;
	_ =	sdelay $0x1  }
0x34: {  	vm1 =	veq.s32 v3, $0x80000000;
	v2 =	vand.u32 $0x3, v3;
	v3 =	vshrl.u32 v3, $0x2  }
0x35: {  	s16 =	simm.s32 $0x10;
	s14 =	sadd.s32 $0x60, s14;
	v2 =	vsel vm1, $0xFFFFFFFF, v2;
	v3 =	vand.u32 $0x7FF, v3  }
0x36: {  	s17 =	sadd.s32 $0x10, s15;
	(ifvalue) =	ssetifvalue $0x7FFFFFFF;
	s15 =	smov.u32 s14;
	v1 =	vsel vm1, $0xFFFFFFFF, v3;
	v3 =	vshrl.u32 v2, $0x2  }
.LBB2_3:
0x37: {  	v4 =	vld.msk [tilespmem:s17+$0x0 ss:$0x1], $0xffff;
	v3 =	vmul.u32 $0x1800, v3;
	v5 =	vshll.u32 v1, $0x2;
	[tilespmem:s15], [sflag:$0x1] =	stream.indirect_vreg.gather [hbm4b:s8+s10], $0x1, v0, vm0, $0x4038  }
0x38: {  	s16 =	sadd.s32 $0x10, s16;
	v2 =	vshll.u32 v2, $0x7;
	v0 =	vand.u32 $0xFFFFFE00, v5  }
0x39: {  	p0 =	slt.u32 s16, $0x20;
	v2 =	vand.u32 $0x180, v2;
	v0 =	vadd.s32 v3, v0  }
0x3a: {  	v1 =	vand.u32 $0x7F, v1;
	v0 =	vor.u32 v2, v0  }
.Ltmp3:
0x3b: {  	v0 =	vor.u32 v1, v0;
	(pc) =	sbr.rel @p0 .LBB2_3-.Ltmp3, $4  }
0x3c: {  	_ = 	snop  }
0x3d: {  	vm1 =	veq.s32 v4, $0x80000000;
	v1 =	vand.u32 $0x3, v4;
	v3 =	vshrl.u32 v4, $0x2  }
0x3e: {  	v2 =	vsel vm1, $0xFFFFFFFF, v1;
	v1 =	vand.u32 $0x7FF, v3  }
0x3f: {  	s17 =	sadd.s32 $0x10, s17;
	s15 =	sadd.s32 $0x10, s15;
	v1 =	vsel vm1, $0xFFFFFFFF, v1;
	v3 =	vshrl.u32 v2, $0x2;
	(ifvalue) =	ssetifvalue $0x7FFFFFFF  }
.Ltmp4:
0x40: {  	_ = 	snop;
	(pc) =	sbr.rel .LBB2_4-.Ltmp4, $1  }
0x41: {  	_ =	sdelay $0x3  }
.LBB2_6:
0x42: {  	_ =	sfence.sel $0x180000  }
0x43: {  	s2 =	simm.s32 $0x2;
	[bflag:$0x0] =	sbarrier.arrive $0xFFFF  }
0x44: {  	s30 =	simm.s32 $0x3;
	[sflag:s2] =	ssyncpa.u1 $0x1  }
0x45: {  	s31 =	simm.s32 $0x1;
	[sflag:s30] =	ssyncpa.u1 $0x1  }
0x46: {  	[sflag:s31] =	ssyncpa.u1 $0x1  }
0x47: {  	p0 =	sne.s32 s1, $0x0;
	_ =	strace $0x90000050  }
0x48: {  	s0 =	sadd.s32 @!p0 $0x100000, s0;
	[bflag:$0x2] =	sbarrier.arrive $0xFFFF  }
0x49: {  	[sflag:s0] =	ssyncadd.tile.s32 @!p0 $0x1;
	_ =	shalt  }
.Lfunc_end2:
_tile_overlayer_lowered:
.L_overlay_start_2:
0x4a: {  	(tag) =	ssettag $0x2  }
0x4b: {  	s0 =	rddreg [dreg:$0x0];
	s2 =	stileid.u32  }
0x4c: {  	s1 =	rddreg [dreg:$0x1];
	p0 =	sne.s32 s2, $0x0  }
0x4d: {  	s3 =	rddreg [dreg:$0x2];
	[bflag:$0x3] =	sbarrier.arrive $0xFFFF;
	s2 =	simm.s32 @!p0 $0x1C01  }
0x4e: {  	[timem:s3], [sflag:s2] =	dma.local @!p0 [hbm:s0], s1  }
0x4f: {  	s0 =	simm.s32 @!p0 $0x1  }
0x50: {  	_ =	swait.ge @!p0 [sflag:s0], s1  }
0x51: {  	s1 =	ssub.s32 @!p0 $0x0, s1;
	[sflag:s0] =	ssyncset.done @!p0 $0x0  }
0x52: {  	[sflag:s0] =	ssyncadd.s32 @!p0 s1  }
0x53: {  	[bflag:$0x3] =	sbarrier.arrive $0xFFFF  }
0x54: {  	_ =	shalt  }

// kernel: gather_offload_async_start
scs
__scs_entry_jumppad:
0x0: {  	(pc) =	sbr.rel $0x88, $3  }
0x1: {  	(tag) =	ssettag $0x0;
	lr =	simm.s32 $0x1  }
0x2: {  	[smem:$0x3F9F] =	sst lr;
	_ =	strace $0xD0000000  }
0x3: {  	_ = 	snop  }
0x4: {  	_ = 	snop  }
0x5: {  	_ = 	snop  }
0x6: {  	_ = 	snop  }
0x7: {  	_ = 	snop  }
__scs_overlays_trampoline_lowered:
0x8: {  	[smem:$0x3FAE] =	sst s0  }
0x9: {  	[smem:$0x3FAF] =	sst s1  }
0xa: {  	[smem:$0x3FB0] =	sst s2  }
0xb: {  	[smem:$0x3FB1] =	sst s3  }
0xc: {  	[smem:$0x3FB2] =	sst s4  }
0xd: {  	[smem:$0x3FB3] =	sst s5  }
0xe: {  	[smem:$0x3FB4] =	sst s6  }
0xf: {  	[smem:$0x3FB5] =	sst s7  }
0x10: {  	[smem:$0x3FB6] =	sst s8  }
0x11: {  	[smem:$0x3FB7] =	sst s9;
	s0 =	simm.s32 @!p0 $0x0  }
0x12: {  	s1 =	sld [smem:$0x3F9D];
	s0 =	simm.s32 @p0 $0x1  }
0x13: {  	[smem:$0x3FB8] =	sst s0;
	s0 =	simm.s32 @!p1 $0x0  }
0x14: {  	s2 =	sld [smem:$0x3F9C];
	s0 =	simm.s32 @p1 $0x1  }
0x15: {  	[smem:$0x3FB9] =	sst s0;
	s0 =	simm.s32 @!p2 $0x0  }
0x16: {  	s3 =	sld [smem:$0x3FDB];
	s0 =	simm.s32 @p2 $0x1  }
0x17: {  	s4 =	simm.s32 $0x1BF5;
	[smem:$0x3FBB] =	sst s0  }
0x18: {  	s0 =	sld [smem:$0x3F9E];
	_ =	swait.ge [sflag:s4], $0x0  }
0x19: {  	s7 =	sld [smem:$0x3F9F]  }
0x1a: {  	s8 =	sadd.s32 $0xFFFFE003, lr  }
0x1b: {  	s9 =	sadd.s32 $0xFFFFFEF7, lr;
	s5 =	simm.s32 $0xFFFFFFFF;
	p2 =	slt.u32 s8, $0xFFFFF086  }
0x1c: {  	p1 =	slt.u32 s9, $0xF7A;
	s5 =	simm.s32 @!p2 $0x0  }
0x1d: {  	s5 =	simm.s32 @p1 $0x1;
	p0 =	seq.s32 s7, s2  }
0x1e: {  	s7 =	smul.u32 @!p0 $0xF7A, s2;
	p2 =	seq.s32 @!p0 s5, $0x0  }
0x1f: {  	s9 =	smul.u32 $0xF7A, s1;
	s8 =	simm.s32 @!p0 $0x1BF5;
	p2 =	por !p2, p0  }
0x20: {  	[sflag:s8] =	ssyncset.s32 @!p0 $0xFFFFF086;
	s6 =	sadd.s32 @!p0 s3, s7;
	s7 =	simm.s32 @!p0 $0x108  }
0x21: {  	s3 =	sadd.s32 s3, s9;
	s6 =	sadd.s32 @!p0 $0x88, s6;
	s7 =	simm.s32 @p2 $0x1082  }
0x22: {  	[simem:s7], [sflag:s8] =	dma.local @!p0 [hbm:s6], $0xF7A  }
0x23: {  	s9 =	sor.u32 $0xD0000000, s2;
	s6 =	simm.s32 $0x108;
	_ =	swait.ge @!p0 [sflag:s8], $0x0  }
0x24: {  	s3 =	sadd.s32 $0x88, s3;
	s6 =	simm.s32 @!p1 $0x1082;
	[sflag:s4] =	ssyncset.s32 $0xFFFFF086  }
0x25: {  	[simem:s6], [sflag:s4] =	dma.local [hbm:s3], $0xF7A  }
0x26: {  	[smem:$0x3F9F] =	sst s1;
	(tag) =	ssettag s2;
	_ =	strace s9  }
0x27: {  	s1 =	sld [smem:$0x3FAF]  }
0x28: {  	s2 =	sld [smem:$0x3FB0]  }
0x29: {  	s4 =	sld [smem:$0x3FB2]  }
0x2a: {  	p0 =	seq.s32 s5, $0x0;
	s5 =	sld [smem:$0x3FB3]  }
0x2b: {  	s6 =	sld [smem:$0x3FB4]  }
0x2c: {  	s7 =	sld [smem:$0x3FB5]  }
0x2d: {  	s3 =	simm.s32 $0x108;
	s8 =	sld [smem:$0x3FB6]  }
0x2e: {  	s3 =	simm.s32 @!p0 $0x1082;
	s9 =	sld [smem:$0x3FB7]  }
0x2f: {  	lr =	sadd.s32 s0, s3;
	s0 =	sld [smem:$0x3FAE]  }
0x30: {  	s3 =	sld [smem:$0x3FB1]  }
0x31: {  	[smem:$0x3FBA] =	sst s10  }
0x32: {  	s10 =	sld [smem:$0x3FB8];
	_ =	sdelay $0x3  }
0x33: {  	p0 =	seq.s32 s10, $0x1;
	s10 =	sld [smem:$0x3FBA];
	_ =	sdelay $0x3  }
0x34: {  	[smem:$0x3FBA] =	sst s10  }
0x35: {  	s10 =	sld [smem:$0x3FB9];
	_ =	sdelay $0x3  }
0x36: {  	p1 =	seq.s32 s10, $0x1;
	s10 =	sld [smem:$0x3FBA];
	_ =	sdelay $0x3  }
0x37: {  	[smem:$0x3FBA] =	sst s10  }
0x38: {  	s10 =	sld [smem:$0x3FBB]  }
0x39: {  	_ = 	snop;
	(pc) =	sbr.ind lr, $3  }
0x3a: {  	_ = 	snop  }
0x3b: {  	_ = 	snop  }
0x3c: {  	p2 =	seq.s32 s10, $0x1;
	s10 =	sld [smem:$0x3FBA]  }
0x3d: {  	_ =	shalt  }
0x3e: {  	_ =	shalt  }
0x3f: {  	_ =	shalt  }
0x40: {  	_ =	shalt  }
0x41: {  	_ =	shalt  }
0x42: {  	_ =	shalt  }
0x43: {  	_ =	shalt  }
0x44: {  	_ =	shalt  }
0x45: {  	_ =	shalt  }
0x46: {  	_ =	shalt  }
0x47: {  	_ =	shalt  }
0x48: {  	_ =	shalt  }
0x49: {  	_ =	shalt  }
0x4a: {  	_ =	shalt  }
0x4b: {  	_ =	shalt  }
0x4c: {  	_ =	shalt  }
0x4d: {  	_ =	shalt  }
0x4e: {  	_ =	shalt  }
0x4f: {  	_ =	shalt  }
0x50: {  	_ =	shalt  }
0x51: {  	_ =	shalt  }
0x52: {  	_ =	shalt  }
0x53: {  	_ =	shalt  }
0x54: {  	_ =	shalt  }
0x55: {  	_ =	shalt  }
0x56: {  	_ =	shalt  }
0x57: {  	_ =	shalt  }
0x58: {  	_ =	shalt  }
0x59: {  	_ =	shalt  }
0x5a: {  	_ =	shalt  }
0x5b: {  	_ =	shalt  }
0x5c: {  	_ =	shalt  }
0x5d: {  	_ =	shalt  }
0x5e: {  	_ =	shalt  }
0x5f: {  	_ =	shalt  }
0x60: {  	_ =	shalt  }
0x61: {  	_ =	shalt  }
0x62: {  	_ =	shalt  }
0x63: {  	_ =	shalt  }
0x64: {  	_ =	shalt  }
0x65: {  	_ =	shalt  }
0x66: {  	_ =	shalt  }
0x67: {  	_ =	shalt  }
0x68: {  	_ =	shalt  }
0x69: {  	_ =	shalt  }
0x6a: {  	_ =	shalt  }
0x6b: {  	_ =	shalt  }
0x6c: {  	_ =	shalt  }
0x6d: {  	_ =	shalt  }
0x6e: {  	_ =	shalt  }
0x6f: {  	_ =	shalt  }
0x70: {  	_ =	shalt  }
0x71: {  	_ =	shalt  }
0x72: {  	_ =	shalt  }
0x73: {  	_ =	shalt  }
0x74: {  	_ =	shalt  }
0x75: {  	_ =	shalt  }
0x76: {  	_ =	shalt  }
0x77: {  	_ =	shalt  }
0x78: {  	_ =	shalt  }
0x79: {  	_ =	shalt  }
0x7a: {  	_ =	shalt  }
0x7b: {  	_ =	shalt  }
0x7c: {  	_ =	shalt  }
0x7d: {  	_ =	shalt  }
0x7e: {  	_ =	shalt  }
0x7f: {  	_ =	shalt  }
0x80: {  	_ =	shalt  }
0x81: {  	_ =	shalt  }
0x82: {  	_ =	shalt  }
0x83: {  	_ =	shalt  }
0x84: {  	_ =	shalt  }
0x85: {  	_ =	shalt  }
0x86: {  	_ =	shalt  }
0x87: {  	_ =	shalt  }
.Lfunc_end0:
.L_simem_size_0:
called_computation_lowered:
.L_overlay_start_0:
0x88: {  	s0 =	sld [smem:$0x3FD9]  }
0x89: {  	s1 =	sld [smem:$0x3FFE];
	_ =	sdelay $0x3  }
0x8a: {  	s0 =	sadd.s32 s1, s0  }
0x8b: {  	[smem:$0x3FC6] =	sst s0  }
0x8c: {  	_ = 	snop  }
0x8d: {  	(tm) =	ssettm $0x1  }
0x8e: {  	s15 =	sld [smem:$0x3FFB];
	_ =	sdelay $0x3  }
0x8f: {  	_ =	strace s15  }
0x90: {  	s0 =	sld [smem:$0x3FFC];
	_ =	sdelay $0x3  }
0x91: {  	_ =	strace s0  }
0x92: {  	s0 =	sld [smem:$0x3FFD];
	_ =	sdelay $0x3  }
0x93: {  	_ =	strace s0  }
0x94: {  	_ =	strace $0x8FFFFFFF  }
0x95: {  	s16 =	sld [smem:$0x3FDB];
	_ =	sdelay $0x1  }
0x96: {  	s17 =	simm.s32 $_scs_section_size  }
0x97: {  	s2 =	simm.s32 $_size__tile_overlayer_lowered;
	s3 =	simm.s32 $_tile_overlayer_lowered  }
0x98: {  	s20 =	simm.s32 $0x1BFF;
	s19 =	sshll.u32 s3, $0x1;
	s0 =	sadd.s32 s17, s16  }
0x99: {  	s4 =	simm.s32 $0x0;
	s18 =	sshll.u32 s2, $0x1;
	s2 =	sadd.s32 s19, s0  }
0x9a: {  	[timem:s4], [sflag:s20] =	dma.local [hbm:s2], s18  }
0x9b: {  	_ =	swait.ge [sflag:s20], s18  }
0x9c: {  	s1 =	ssub.s32 $0x0, s18;
	[sflag:s20] =	ssyncset.done $0x0  }
0x9d: {  	[sflag:s20] =	ssyncadd.s32 s1;
	_ =	sdelay $0x1  }
0x9e: {  	s21 =	simm.s32 $0x1B8B  }
0x9f: {  	_ =	swait.ge [sflag:s21], $0x1  }
0xa0: {  	[sflag:s21] =	ssyncset.done $0x0  }
0xa1: {  	s23 =	simm.s32 $0x1B8E;
	s22 =	sld [smem:$0x3FFE];
	[sflag:s21] =	ssyncadd.s32 $0xFFFFFFFF  }
0xa2: {  	s24 =	simm.s32 $execute0_lowered;
	[smem:$0x3FD2] =	sst s23  }
0xa3: {  	s2 =	sshll.u32 s24, $0x1;
	_ =	strace $0x80000049;
	[dreg:$0x1] =	wrdreg $0xFFFFFFFF  }
0xa4: {  	s25 =	simm.s32 $_size_execute0_lowered;
	s0 =	sadd.s32 s0, s2;
	[dreg:$0x0] =	wrdreg $0x0  }
0xa5: {  	s2 =	sshll.u32 s25, $0x1;
	[dreg:$0x2] =	wrdreg s0  }
0xa6: {  	[dreg:$0x3] =	wrdreg s2  }
0xa7: {  	[dreg:$0x4] =	wrdreg $0xC0  }
0xa8: {  	_ =	task [dreg:s4], $0x5FFFF  }
0xa9: {  	[dreg:$0x1] =	wrdreg $0xFFFFFFFF  }
0xaa: {  	[dreg:$0x0] =	wrdreg $0x60  }
0xab: {  	[dreg:$0x2] =	wrdreg s22  }
0xac: {  	[dreg:$0x3] =	wrdreg $0x9  }
0xad: {  	_ =	task.clear_ibuf [dreg:s4], $0x4FFFF;
	_ =	strace $0x90000049  }
0xae: {  	s26 =	simm.s32 $0x9;
	_ =	strace $0x8000004B  }
0xaf: {  	_ =	swait.ge [sflag:s26], $0x1  }
0xb0: {  	[sflag:s26] =	ssyncadd.s32 $0xFFFFFFFF  }
0xb1: {  	_ =	strace $0x9000004B  }
0xb2: {  	_ =	sfence  }
0xb3: {  	s28 =	sld [smem:$0x0];
	_ =	sdelay $0x1  }
0xb4: {  	s29 =	srdreg.scid  }
0xb5: {  	s30 =	sshll.u32 s29, $0xD;
	s31 =	sshrl.u32 s29, $0x2  }
0xb6: {  	s1 =	sand.u32 $0x1, s29;
	s2 =	sand.u32 $0x4000, s30;
	s0 =	sadd.s32 s31, s28  }
0xb7: {  	s1 =	sor.u32 s2, s1;
	s0 =	sshll.u32 s0, $0x11  }
0xb8: {  	s0 =	sor.u32 s0, s1  }
0xb9: {  	s0 =	sadd.s32 $0x8F2B, s0  }
0xba: {  	[sflag:s0] =	ssyncadd.remote.s32 $0x1  }
0xbb: {  	_ =	sfence.sel $0xFFFF  }
0xbc: {  	[dreg:$0x0] =	wrdreg $0xFFFFFFFF;
	(pc) =	sbr.abs _section_cstart, $3  }
0xbd: {  	[dreg:$0x1] =	wrdreg $0xFFFFFFFF  }
0xbe: {  	_ =	task.clear_ibuf [dreg:s4], $0x2FFFF;
	_ =	strace $0x9FFFFFFF  }
0xbf: {  	(tm) =	ssettm $0x7FFFFFFF  }
tec
execute0_lowered:
.L_overlay_start_1:
0x0: {  	(tag) =	ssettag $0x1  }
0x1: {  	s0 =	stileid.u32  }
0x2: {  	s1 =	smin.u32 s0, $0xE  }
0x3: {  	s1 =	sadd.s32 s0, s1  }
0x4: {  	s2 =	simm.s32 $0x190;
	p0 =	slt.u32 s0, $0xE;
	s1 =	smul.u32 $0xC8, s1  }
0x5: {  	s2 =	simm.s32 @!p0 $0xC8  }
0x6: {  	s2 =	sadd.s32 s2, s1  }
0x7: {  	s3 =	smin.u32 s2, $0x1770  }
0x8: {  	s7 =	ssub.s32 s3, s1  }
0x9: {  	p0 =	sgt.s32 s7, $0x0  }
0xa: {  	s7 =	simm.s32 @!p0 $0x0  }
0xb: {  	s31 =	sand.u32 $0xFFF8, s7  }
0xc: {  	s2 =	sshrl.u32 s31, $0x3  }
0xd: {  	s2 =	smul.u32 $0x147B, s2  }
0xe: {  	s4 =	rddreg [dreg:$0x0];
	s6 =	simm.s32 $0x1  }
0xf: {  	s10 =	simm.s32 $0x3;
	s13 =	simm.s32 $0x0;
	s8 =	sshrl.u32 s2, $0x11  }
0x10: {  	s12 =	simm.s32 $0x0;
	s5 =	sadd.s32 $0x3400, s4;
	s9 =	smul.u32 $0xC8, s8  }
.Ltmp0:
0x11: {  	s11 =	smov.u32 s1;
	s2 =	rddreg [dreg:$0x1];
	(pc) =	sbr.rel .LBB2_1-.Ltmp0, $4  }
0x12: {  	_ =	strace $0x8000004A;
	p0 =	sne.s32 s7, s9;
	s9 =	simm.s32 $0x1  }
0x13: {  	[sflag:s6] =	ssyncpa.u1 $0x0;
	s7 =	simm.s32 $0x2;
	s9 =	simm.s32 @!p0 $0x0  }
0x14: {  	[sflag:s7] =	ssyncpa.u1 $0x0;
	p0 =	por $0x0, $0x0;
	s8 =	sadd.s32 s8, s9  }
0x15: {  	vm0 =	vmmov $0xff;
	vm1 =	vcmask $0x3F20;
	s9 =	sadd.s32 $0x13BC00, s4;
	[sflag:s10] =	ssyncpa.u1 $0x0;
	s10 =	sadd.s32 $0x1, s8  }
.LBB2_6:
0x16: {  	[hbm:s17] =	stream.linear.scatter [tilespmem:s14], [sflag:$0x3], $0x400, $0x38;
	[tilespmem:$0xC990] =	vst v63  }
.LBB2_7:
0x17: {  	s13 =	sadd.s32 $0xC8, s11  }
0x18: {  	s15 =	smov.u32 s1;
	p2 =	slt.s32 s13, s3  }
0x19: {  	s15 =	smov.u32 @p2 s13;
	p2 =	sne.s32 s12, s10  }
.Ltmp1:
0x1a: {  	p1 =	slt.u32 s12, $0x2;
	(pc) =	sbr.rel @!p2 .LBB2_8-.Ltmp1, $4  }
0x1b: {  	s14 =	simm.s32 @!p1 $0x3  }
0x1c: {  	s16 =	sadd.s32 $0x1, s12;
	_ =	swait.ge @!p1 [sflag:s14], $0x6400  }
0x1d: {  	p0 =	por !p0, !p0;
	s13 =	smov.u32 s11;
	[sflag:s14] =	ssyncset.done @!p1 $0x0  }
0x1e: {  	s12 =	smov.u32 s16;
	s11 =	smov.u32 s15;
	[sflag:s14] =	ssyncadd.s32 @!p1 $0xFFFF9C00  }
.LBB2_1:
0x1f: {  	p1 =	sge.u32 s12, s8  }
0x20: {  	s14 =	sxor.u32 @!p1 $0xFFFFFFFF, s12  }
0x21: {  	s14 =	sand.u32 @!p1 $0x1, s14  }
0x22: {  	s14 =	smul.u32 @!p1 $0x320, s14  }
0x23: {  	s31 =	sadd.s32 $0xFFFFFFFF, s12;
	s15 =	sshrl.u32 @!p1 s11, $0x3  }
0x24: {  	s16 =	sand.u32 @!p1 $0x7, s11;
	s15 =	sadd.s32 @!p1 s4, s15;
	s14 =	sshrl.u32 @!p1 s14, $0x2  }
0x25: {  	[tilespmem:s14], [sflag:$0x2] =	stream.linear.gather @!p1 [hbm4b:s15+s16], $0xC8, $0x38;
	[tilespmem:$0xC990] =	vst v63  }
0x26: {  	p1 =	sge.u32 s31, s8  }
.Ltmp2:
0x27: {  	_ = 	snop;
	(pc) =	sbr.rel @p1 .LBB2_7-.Ltmp2, $1  }
0x28: {  	_ =	sdelay $0x3  }
0x29: {  	s14 =	simm.s32 $0x1  }
0x2a: {  	s14 =	simm.s32 @!p0 $0x0  }
0x2b: {  	s15 =	smul.u32 $0x320, s14  }
0x2c: {  	_ =	swait.ge [sflag:s7], $0xC8  }
0x2d: {  	[sflag:s7] =	ssyncset.done $0x0;
	s17 =	sshrl.u32 s15, $0x2  }
0x2e: {  	[sflag:s7] =	ssyncadd.s32 $0xFFFFFF38;
	s15 =	sadd.s32 $0x0, s17  }
0x2f: {  	v0 =	vld.msk [tilespmem:s15+$0x0 ss:$0x1], $0xffff;
	_ =	sdelay $0x4  }
0x30: {  	v1 =	vand.u32 $0x3, v0;
	v2 =	vshll.u32 v0, $0x5  }
0x31: {  	vm2 =	veq.s32 v0, $0x80000000;
	v0 =	vmul.u32 $0x271000, v1;
	v1 =	vand.u32 $0x3FFF80, v2  }
0x32: {  	v1 =	vsel vm2, $0xFFFFFF80, v1  }
0x33: {  	v0 =	vsel vm2, $0xFFD8F000, v0;
	v2 =	vand.u32 $0xFFFFFC00, v1  }
0x34: {  	v1 =	vand.u32 $0x380, v1;
	v0 =	vadd.s32 v0, v2  }
0x35: {  	v0 =	vor.u32 v1, v0  }
0x36: {  	v0 =	vshrl.u32 v0, $0x3  }
0x37: {  	s14 =	smul.u32 $0x19000, s14  }
0x38: {  	s31 =	sand.u32 $0x1, s12  }
0x39: {  	s16 =	smul.u32 $0x320, s31;
	s14 =	sshrl.u32 s14, $0x2  }
0x3a: {  	s19 =	smul.u32 $0x19000, s31;
	s14 =	sor.u32 $0x190, s14  }
0x3b: {  	[tilespmem:s14], [sflag:$0x1] =	stream.indirect_vreg.gather [hbm:s5], $0x80, v0, vm0, $0x38;
	[tilespmem:$0xC990] =	vst v63  }
0x3c: {  	s18 =	sshrl.u32 s16, $0x2;
	s20 =	sadd.s32 $0x10, s17;
	s15 =	sadd.s32 $0x400, s14  }
0x3d: {  	[tilespmem:s15], [sflag:$0x1] =	stream.indirect_vreg.gather [hbm:s5], $0x80, v0, vm1, $0x38;
	[tilespmem:$0xC990] =	vst v63  }
0x3e: {  	s16 =	sshrl.u32 s19, $0x2;
	s19 =	smov.u32 s14;
	v0 =	vld.msk [tilespmem:s20+$0x0 ss:$0x1], $0xffff;
	s20 =	simm.s32 $0x80  }
.LBB2_3:
0x3f: {  	p1 =	sne.s32 s20, $0x2C0;
	_ =	sdelay $0x4  }
0x40: {  	v1 =	vand.u32 $0x3, v0;
	v2 =	vshll.u32 v0, $0x5  }
0x41: {  	vm2 =	veq.s32 v0, $0x80000000;
	v0 =	vmul.u32 $0x271000, v1;
	v1 =	vand.u32 $0x3FFF80, v2  }
0x42: {  	v1 =	vsel vm2, $0xFFFFFF80, v1  }
0x43: {  	v0 =	vsel vm2, $0xFFD8F000, v0;
	v2 =	vand.u32 $0xFFFFFC00, v1  }
0x44: {  	v1 =	vand.u32 $0x380, v1;
	v0 =	vadd.s32 v0, v2  }
0x45: {  	v0 =	vor.u32 v1, v0  }
0x46: {  	v0 =	vshrl.u32 v0, $0x3;
	_ =	sdelay $0x3  }
.Ltmp3:
0x47: {  	s21 =	sshra.s32 s20, $0x2;
	s19 =	sadd.s32 $0x800, s19;
	(pc) =	sbr.rel @p1 .LBB2_3-.Ltmp3, $4  }
0x48: {  	[tilespmem:s19], [sflag:$0x1] =	stream.indirect_vreg.gather [hbm:s5], $0x80, v0, vm0, $0x38;
	[tilespmem:$0xC990] =	vst v63  }
0x49: {  	s21 =	sadd.s32 s21, s17;
	s22 =	sadd.s32 $0x400, s19  }
0x4a: {  	[tilespmem:s22], [sflag:$0x1] =	stream.indirect_vreg.gather [hbm:s5], $0x80, v0, vm1, $0x38;
	[tilespmem:$0xC990] =	vst v63  }
0x4b: {  	s20 =	sadd.s32 $0x40, s20;
	v0 =	vld.msk [tilespmem:s21+$0x0 ss:$0x1], $0xffff  }
0x4c: {  	_ =	sdelay $0x3  }
0x4d: {  	v1 =	vand.u32 $0x3, v0;
	v2 =	vshll.u32 v0, $0x5  }
0x4e: {  	vm2 =	veq.s32 v0, $0x80000000;
	v56 =	vmul.u32 $0x271000, v1;
	v57 =	vand.u32 $0x3FFF80, v2  }
0x4f: {  	v1 =	vsel vm2, $0xFFFFFF80, v57  }
0x50: {  	v0 =	vsel vm2, $0xFFD8F000, v56;
	v58 =	vand.u32 $0xFFFFFC00, v1  }
0x51: {  	v1 =	vand.u32 $0x380, v1;
	v0 =	vadd.s32 v0, v58  }
0x52: {  	v0 =	vor.u32 v1, v0  }
0x53: {  	v0 =	vshrl.u32 v0, $0x3;
	_ =	sdelay $0x3  }
0x54: {  	s17 =	sadd.s32 $0x800, s19  }
0x55: {  	[tilespmem:s17], [sflag:$0x1] =	stream.indirect_vreg.gather [hbm:s5], $0x80, v0, vm0, $0x38;
	[tilespmem:$0xC990] =	vst v63  }
0x56: {  	s17 =	sadd.s32 $0x400, s17  }
0x57: {  	[tilespmem:s17], [sflag:$0x1] =	stream.indirect_vreg.gather [hbm:s5], $0x80, v0, vm1, $0x38;
	[tilespmem:$0xC990] =	vst v63  }
0x58: {  	v0 =	vld.msk [tilespmem:s18+$0xC0 ss:$0x1], $0xff;
	_ =	sdelay $0x4  }
0x59: {  	v59 =	vand.u32 $0x3, v0;
	v60 =	vshll.u32 v0, $0x5  }
0x5a: {  	vm2 =	veq.s32 v0, $0x80000000;
	v61 =	vmul.u32 $0x271000, v59;
	v62 =	vand.u32 $0x3FFF80, v60  }
0x5b: {  	v1 =	vsel vm2, $0xFFFFFF80, v62  }
0x5c: {  	v0 =	vsel vm2, $0xFFD8F000, v61;
	v63 =	vand.u32 $0xFFFFFC00, v1  }
0x5d: {  	v1 =	vand.u32 $0x380, v1;
	v0 =	vadd.s32 v0, v63  }
0x5e: {  	v0 =	vor.u32 v1, v0  }
0x5f: {  	v0 =	vshrl.u32 v0, $0x3;
	_ =	sdelay $0x3  }
0x60: {  	s16 =	sadd.s32 $0x6190, s16  }
0x61: {  	[tilespmem:s16], [sflag:$0x1] =	stream.indirect_vreg.gather [hbm:s5], $0x80, v0, vm0, $0x38;
	[tilespmem:$0xC990] =	vst v63  }
0x62: {  	s13 =	sshll.u32 s13, $0x4;
	_ =	swait.ge [sflag:s6], $0x6400  }
0x63: {  	s13 =	sadd.s32 s13, s9;
	[sflag:s6] =	ssyncset.done $0x0  }
0x64: {  	s17 =	sadd.s32 $0x0, s13;
	s16 =	simm.s32 $0x80;
	[sflag:s6] =	ssyncadd.s32 $0xFFFF9C00  }
.LBB2_5:
0x65: {  	[hbm:s17] =	stream.linear.scatter [tilespmem:s14], [sflag:$0x3], $0x400, $0x38;
	[tilespmem:$0xC990] =	vst v63  }
0x66: {  	s17 =	smov.u32 s16;
	s14 =	smov.u32 s15;
	p1 =	sne.s32 s16, $0xC00  }
.Ltmp4:
0x67: {  	s16 =	sadd.s32 $0x80, s16;
	(pc) =	sbr.rel @p1 .LBB2_5-.Ltmp4, $2  }
0x68: {  	_ =	sdelay $0x2  }
0x69: {  	s15 =	sadd.s32 $0x400, s15;
	s17 =	sadd.s32 s17, s13  }
.Ltmp5:
0x6a: {  	_ = 	snop;
	(pc) =	sbr.rel .LBB2_6-.Ltmp5, $1  }
0x6b: {  	_ =	sdelay $0x3  }
.LBB2_8:
0x6c: {  	_ =	sfence.sel $0x180000  }
0x6d: {  	s1 =	simm.s32 $0x2;
	[bflag:$0x0] =	sbarrier.arrive $0xFFFF  }
0x6e: {  	s30 =	simm.s32 $0x3;
	[sflag:s1] =	ssyncpa.u1 $0x1  }
0x6f: {  	s31 =	simm.s32 $0x1;
	[sflag:s30] =	ssyncpa.u1 $0x1  }
0x70: {  	[sflag:s31] =	ssyncpa.u1 $0x1  }
0x71: {  	p0 =	sne.s32 s0, $0x0;
	_ =	strace $0x9000004A  }
0x72: {  	s0 =	sadd.s32 @!p0 $0x100000, s2;
	[bflag:$0x2] =	sbarrier.arrive $0xFFFF  }
0x73: {  	[sflag:s0] =	ssyncadd.tile.s32 @!p0 $0x1;
	_ =	shalt  }
.Lfunc_end2:
_tile_overlayer_lowered:
.L_overlay_start_2:
0x74: {  	(tag) =	ssettag $0x2  }
0x75: {  	s0 =	rddreg [dreg:$0x0];
	s2 =	stileid.u32  }
0x76: {  	s1 =	rddreg [dreg:$0x1];
	p0 =	sne.s32 s2, $0x0  }
0x77: {  	s3 =	rddreg [dreg:$0x2];
	[bflag:$0x3] =	sbarrier.arrive $0xFFFF;
	s2 =	simm.s32 @!p0 $0x1C01  }
0x78: {  	[timem:s3], [sflag:s2] =	dma.local @!p0 [hbm:s0], s1  }
0x79: {  	s0 =	simm.s32 @!p0 $0x1  }
0x7a: {  	_ =	swait.ge @!p0 [sflag:s0], s1  }
0x7b: {  	s1 =	ssub.s32 @!p0 $0x0, s1;
	[sflag:s0] =	ssyncset.done @!p0 $0x0  }
0x7c: {  	[sflag:s0] =	ssyncadd.s32 @!p0 s1  }
0x7d: {  	[bflag:$0x3] =	sbarrier.arrive $0xFFFF  }
0x7e: {  	_ =	shalt  }

</sc_bundles>
